<compile_context>
chip_gen: v7x
topology: tpu7x:2x2x1
jax: 0.10.2.dev20260603
libtpu: 0.0.44.dev20260713+nightly
codegen_flags: <defaults>
</compile_context>

<pallas_src>
import functools
import math

import jax
import jax.numpy as jnp
import numpy as np
from jax import lax
from jax.experimental import pallas as pl
from jax.experimental.pallas import tpu as pltpu
from jax.experimental.pallas import tpu_sc as plsc

IMAGE_SIZE = 256
PAD = 5
PADDED = IMAGE_SIZE + 2 * PAD
_HWP = PADDED * PADDED
N_POINTS = 4 * 16384
N_SUBCORES = 32
PTS_PER_SUB = N_POINTS // N_SUBCORES
KR = 5
NSLOT = 112

_EYES = np.array(
    [[-1, -1, -1], [-1, -1, 1], [-1, 1, -1], [-1, 1, 1],
     [1, -1, -1], [1, -1, 1], [1, 1, -1], [1, 1, 1]], dtype=np.float32)

_C1 = float((np.pi / 10.0) ** 2)
_POLY = [(-1.0) ** k * _C1 ** k / float(math.factorial(2 * k))
         for k in range(5)]


def _normalize(x):
    n = jnp.linalg.norm(x, axis=1, keepdims=True)
    return x / jnp.maximum(n, 1e-6)


def _look_at(eyes, centers, ups):
    B = eyes.shape[0]
    zaxis = _normalize(eyes - centers)
    xaxis = _normalize(jnp.cross(ups, zaxis))
    yaxis = jnp.cross(zaxis, xaxis)
    z = jnp.zeros([B], dtype=eyes.dtype)
    o = jnp.ones([B], dtype=eyes.dtype)
    translation = jnp.stack(
        [o, z, z, -eyes[:, 0], z, o, z, -eyes[:, 1], z, z, o, -eyes[:, 2],
         z, z, z, o], -1).reshape(-1, 4, 4)
    orientation = jnp.stack(
        [xaxis[:, 0], xaxis[:, 1], xaxis[:, 2], z,
         yaxis[:, 0], yaxis[:, 1], yaxis[:, 2], z,
         zaxis[:, 0], zaxis[:, 1], zaxis[:, 2], z, z, z, z, o],
        -1).reshape(-1, 4, 4)
    return orientation @ translation


def _orthorgonal(scalex, scaley, z_near, z_far):
    z = jnp.zeros_like(z_near)
    o = jnp.ones_like(z_near)
    k1 = -2.0 / (z_far - z_near)
    k2 = (z_far + z_near) / (z_far - z_near)
    return jnp.stack(
        [scalex, z, z, z, z, scaley, z, z, z, z, k1, k2, z, z, z, o],
        -1).reshape(-1, 4, 4)


def _pre_matrices():
    proj = _orthorgonal(jnp.array([1.5], dtype=jnp.float32),
                        jnp.array([1.5], dtype=jnp.float32),
                        jnp.array([0.1], dtype=jnp.float32),
                        jnp.array([10.0], dtype=jnp.float32))
    mats = []
    for i in range(_EYES.shape[0]):
        vm = _look_at(jnp.asarray(_EYES[i:i + 1]),
                      jnp.zeros((1, 3), dtype=jnp.float32),
                      jnp.array([[0.0, 0.0, 1.0]], dtype=jnp.float32))
        mats.append(proj @ vm)
    return jnp.concatenate(mats, axis=0)


def _offset_tables():
    live, dead = [], []
    for di in range(-KR, KR + 1):
        for dj in range(-KR, KR + 1):
            m = max(abs(di) - 0.5, 0.0) ** 2 + max(abs(dj) - 0.5, 0.0) ** 2
            (live if m <= 25.0 else dead).append((di, dj))
    slots = live + dead[:NSLOT - len(live)]
    assert len(slots) == NSLOT
    doff = np.array([di * PADDED + dj for di, dj in slots], dtype=np.int32)
    dif = np.array([di for di, dj in slots], dtype=np.float32)
    djf = np.array([dj for di, dj in slots], dtype=np.float32)
    return doff, dif, djf


def _project_body(mat_ref, x_ref, y_ref, z_ref,
                  a_ref, fi_ref, fj_ref, ft_ref):
    x = x_ref[...].astype(jnp.bfloat16).astype(jnp.float32)
    y = y_ref[...].astype(jnp.bfloat16).astype(jnp.float32)
    z = z_ref[...].astype(jnp.bfloat16).astype(jnp.float32)
    m = [mat_ref[i].astype(jnp.bfloat16).astype(jnp.float32)
         for i in range(12)]
    px = ((x * m[0] + y * m[1]) + z * m[2]) + m[3]
    py = ((x * m[4] + y * m[5]) + z * m[6]) + m[7]
    pz = ((x * m[8] + y * m[9]) + z * m[10]) + m[11]
    pi = (-py + 1.0) / 2.0 * float(IMAGE_SIZE - 1)
    pj = (px + 1.0) / 2.0 * float(IMAGE_SIZE - 1)
    cic = jnp.clip(jnp.round(pi), 0.0, float(IMAGE_SIZE - 1))
    cjc = jnp.clip(jnp.round(pj), 0.0, float(IMAGE_SIZE - 1))
    zmin = jnp.min(pz)
    zmax = jnp.max(pz)
    a_ref[...] = (cic * float(PADDED) + cjc).astype(jnp.int32) + (
        PAD * PADDED + PAD)
    fi_ref[...] = pi - cic
    fj_ref[...] = pj - cjc
    ft_ref[...] = 1.0 - (pz - zmin) / (zmax - zmin)


def _merge_body(p_ref, o_ref):
    o_ref[...] = jnp.maximum(jnp.max(p_ref[...], axis=1, keepdims=True), 0.0)


def _scatter_body(a_hbm, fi_hbm, fj_hbm, ft_hbm,
                  dio_hbm, dif_hbm, djf_hbm, zero_hbm, out_hbm,
                  canvas, a_v, fi_v, fj_v, ft_v, dio_v, dif_v, djf_v,
                  ca_v, cfi_v, cfj_v, cft_v):
    wid = lax.axis_index("s") * 2 + lax.axis_index("c")
    base = wid * PTS_PER_SUB
    pltpu.sync_copy(a_hbm.at[pl.ds(base, PTS_PER_SUB)], a_v)
    pltpu.sync_copy(fi_hbm.at[pl.ds(base, PTS_PER_SUB)], fi_v)
    pltpu.sync_copy(fj_hbm.at[pl.ds(base, PTS_PER_SUB)], fj_v)
    pltpu.sync_copy(ft_hbm.at[pl.ds(base, PTS_PER_SUB)], ft_v)
    pltpu.sync_copy(dio_hbm, dio_v)
    pltpu.sync_copy(dif_hbm, dif_v)
    pltpu.sync_copy(djf_hbm, djf_v)
    pltpu.sync_copy(zero_hbm, canvas)

    def cull(i, nkept):
        sl = pl.ds(i * 16, 16)
        fiv = fi_v[sl]
        fjv = fj_v[sl]
        keep = (fiv * fiv <= 25.0) & (fjv * fjv <= 25.0)
        cnt = plsc.all_reduce_population_count(keep)
        dst = pl.ds(nkept, 16)
        plsc.store_compressed(ca_v.at[dst], a_v[sl], mask=keep)
        plsc.store_compressed(cfi_v.at[dst], fiv, mask=keep)
        plsc.store_compressed(cfj_v.at[dst], fjv, mask=keep)
        plsc.store_compressed(cft_v.at[dst], ft_v[sl], mask=keep)
        return nkept + jnp.max(cnt)

    n = lax.fori_loop(0, PTS_PER_SUB // 16, cull, jnp.int32(0))

    lane0 = jax.lax.iota(jnp.int32, 16) == 0
    dmask = lane0 & ((n % 2) == 1)
    didx = jnp.full((16,), jnp.minimum(n, PTS_PER_SUB - 1), dtype=jnp.int32)
    plsc.store_scatter(ca_v, [didx],
                       jnp.full((16,), PAD * PADDED + PAD, dtype=jnp.int32),
                       mask=dmask)
    plsc.store_scatter(cfi_v, [didx], jnp.zeros((16,), jnp.float32),
                       mask=dmask)
    plsc.store_scatter(cfj_v, [didx], jnp.zeros((16,), jnp.float32),
                       mask=dmask)
    plsc.store_scatter(cft_v, [didx], jnp.zeros((16,), jnp.float32),
                       mask=dmask)

    nk = NSLOT // 16
    dio = [dio_v[pl.ds(k * 16, 16)] for k in range(nk)]
    dif = [dif_v[pl.ds(k * 16, 16)] for k in range(nk)]
    djf = [djf_v[pl.ds(k * 16, 16)] for k in range(nk)]

    def point_av(p):
        idxp = jnp.full((16,), p, dtype=jnp.int32)
        a0 = plsc.load_gather(ca_v, [idxp])
        fib = plsc.load_gather(cfi_v, [idxp])
        fjb = plsc.load_gather(cfj_v, [idxp])
        ftb = plsc.load_gather(cft_v, [idxp])
        cf = [ftb * jnp.float32(c) for c in _POLY]
        addrs, vals = [], []
        for k in range(nk):
            addrs.append(a0 + dio[k])
            dx = dif[k] - fib
            dy = djf[k] - fjb
            d2 = jnp.minimum(dx * dx + dy * dy, 60.0)
            w = cf[4]
            for c in (cf[3], cf[2], cf[1], cf[0]):
                w = w * d2 + c
            vals.append(w)
        return addrs, vals

    def point_rmw(addrs, vals):
        olds = [plsc.load_gather(canvas, [a]) for a in addrs]
        for k in range(nk):
            plsc.store_scatter(canvas, [addrs[k]],
                               jnp.maximum(olds[k], vals[k]))

    def body(p, carry):
        p0 = p * 2
        aa, va = point_av(p0)
        ab, vb = point_av(p0 + 1)
        point_rmw(aa, va)
        point_rmw(ab, vb)
        return carry

    lax.fori_loop(0, (n + 1) // 2, body, 0)
    pltpu.sync_copy(canvas, out_hbm.at[wid])


def _project(mat, x2, y2, z2):
    shp = x2.shape
    return pl.pallas_call(
        _project_body,
        in_specs=[pl.BlockSpec(memory_space=pltpu.SMEM),
                  pl.BlockSpec(memory_space=pltpu.VMEM),
                  pl.BlockSpec(memory_space=pltpu.VMEM),
                  pl.BlockSpec(memory_space=pltpu.VMEM)],
        out_specs=[pl.BlockSpec(memory_space=pltpu.VMEM)] * 4,
        out_shape=[jax.ShapeDtypeStruct(shp, jnp.int32),
                   jax.ShapeDtypeStruct(shp, jnp.float32),
                   jax.ShapeDtypeStruct(shp, jnp.float32),
                   jax.ShapeDtypeStruct(shp, jnp.float32)],
    )(mat, x2, y2, z2)


def _merge(partials):
    return pl.pallas_call(
        _merge_body,
        grid=(4,),
        in_specs=[pl.BlockSpec((1, 8, _HWP), lambda b: (b, 0, 0))],
        out_specs=pl.BlockSpec((1, 1, _HWP), lambda b: (b, 0, 0)),
        out_shape=jax.ShapeDtypeStruct((4, 1, _HWP), jnp.float32),
    )(partials)


def _make_scatter():
  return functools.partial(
    pl.kernel,
    mesh=plsc.VectorSubcoreMesh(core_axis_name="c", subcore_axis_name="s"),
    compiler_params=pltpu.CompilerParams(needs_layout_passes=False),
    out_type=jax.ShapeDtypeStruct((N_SUBCORES, _HWP), jnp.float32),
    scratch_types=[
        pltpu.VMEM((_HWP,), jnp.float32),
        pltpu.VMEM((PTS_PER_SUB,), jnp.int32),
        pltpu.VMEM((PTS_PER_SUB,), jnp.float32),
        pltpu.VMEM((PTS_PER_SUB,), jnp.float32),
        pltpu.VMEM((PTS_PER_SUB,), jnp.float32),
        pltpu.VMEM((NSLOT,), jnp.int32),
        pltpu.VMEM((NSLOT,), jnp.float32),
        pltpu.VMEM((NSLOT,), jnp.float32),
        pltpu.VMEM((PTS_PER_SUB,), jnp.int32),
        pltpu.VMEM((PTS_PER_SUB,), jnp.float32),
        pltpu.VMEM((PTS_PER_SUB,), jnp.float32),
        pltpu.VMEM((PTS_PER_SUB,), jnp.float32),
    ],
  )(_scatter_body)


def kernel(data, view_id):
    pre = _pre_matrices()
    mat = pre[view_id]
    pcds = data.reshape(-1, 3)
    x2 = pcds[:, 0].reshape(512, 128)
    y2 = pcds[:, 1].reshape(512, 128)
    z2 = pcds[:, 2].reshape(512, 128)
    matv = mat[:3].reshape(12)

    a2, fi2, fj2, ft2 = _project(matv, x2, y2, z2)

    doff, dif, djf = _offset_tables()
    zero = jnp.zeros((_HWP,), dtype=jnp.float32)
    partials = _make_scatter()(
        a2.reshape(N_POINTS), fi2.reshape(N_POINTS),
        fj2.reshape(N_POINTS), ft2.reshape(N_POINTS),
        jnp.asarray(doff), jnp.asarray(dif), jnp.asarray(djf), zero)

    merged = _merge(partials.reshape(4, 8, _HWP))
    padded = merged.reshape(4, 1, PADDED, PADDED)
    return padded[:, :, PAD:PAD + IMAGE_SIZE, PAD:PAD + IMAGE_SIZE]

# --- scband reference (transcript-rebuilt; emitter-appended) ---
"""Pipeline reference for scband-compute-depth-maps-48558900249269 (READ-ONLY COPY).

The authoritative reference and input builder live on the scoring server;
editing this copy changes nothing except your own understanding.
"""

import jax, jax.numpy as jnp
import numpy as np

IMAGE_SIZE = 256
EYEPOS_SCALE = 1.0
EYES = np.array([[-1,-1,-1],[-1,-1,1],[-1,1,-1],[-1,1,1],[1,-1,-1],[1,-1,1],[1,1,-1],[1,1,1]], dtype=np.float32)

def _normalize(x):
    n = jnp.linalg.norm(x, axis=1, keepdims=True)
    return x / jnp.maximum(n, 1e-6)

def _look_at(eyes, centers, ups):
    B = eyes.shape[0]
    zaxis = _normalize(eyes - centers)
    xaxis = _normalize(jnp.cross(ups, zaxis))
    yaxis = jnp.cross(zaxis, xaxis)
    z = jnp.zeros([B], dtype=eyes.dtype)
    o = jnp.ones([B], dtype=eyes.dtype)
    translation = jnp.stack([o, z, z, -eyes[:, 0], z, o, z, -eyes[:, 1], z, z, o, -eyes[:, 2], z, z, z, o], -1).reshape(-1, 4, 4)
    orientation = jnp.stack([xaxis[:, 0], xaxis[:, 1], xaxis[:, 2], z, yaxis[:, 0], yaxis[:, 1], yaxis[:, 2], z, zaxis[:, 0], zaxis[:, 1], zaxis[:, 2], z, z, z, z, o], -1).reshape(-1, 4, 4)
    return orientation @ translation

def _orthorgonal(scalex, scaley, z_near, z_far):
    z = jnp.zeros_like(z_near)
    o = jnp.ones_like(z_near)
    k1 = -2.0 / (z_far - z_near)
    k2 = (z_far + z_near) / (z_far - z_near)
    return jnp.stack([scalex, z, z, z, z, scaley, z, z, z, z, k1, k2, z, z, z, o], -1).reshape(-1, 4, 4)

def _pre_matrices():
    proj = _orthorgonal(jnp.array([1.5], dtype=jnp.float32), jnp.array([1.5], dtype=jnp.float32), jnp.array([0.1], dtype=jnp.float32), jnp.array([10.0], dtype=jnp.float32))
    mats = []
    for i in range(EYES.shape[0]):
        vm = _look_at(jnp.asarray(EYES[i:i+1]) * EYEPOS_SCALE, jnp.zeros((1, 3), dtype=jnp.float32), jnp.array([[0.0, 0.0, 1.0]], dtype=jnp.float32))
        mats.append(proj @ vm)
    return jnp.concatenate(mats, axis=0)

def _p2i_max(pos_ijs, point_features, batch_inds, background, kernel_radius):
    B, C, H, W = background.shape
    pi = (pos_ijs[:, 0] + 1.0) / 2.0 * (H - 1)
    pj = (pos_ijs[:, 1] + 1.0) / 2.0 * (W - 1)
    offs = jnp.arange(-kernel_radius, kernel_radius + 1)
    di, dj = jnp.meshgrid(offs, offs, indexing='ij')
    di = di.reshape(-1).astype(jnp.int32)
    dj = dj.reshape(-1).astype(jnp.int32)
    ci = jnp.round(pi).astype(jnp.int32)[:, None] + di[None, :]
    cj = jnp.round(pj).astype(jnp.int32)[:, None] + dj[None, :]
    d2 = (ci.astype(jnp.float32) - pi[:, None]) ** 2 + (cj.astype(jnp.float32) - pj[:, None]) ** 2
    dist = jnp.sqrt(d2 + 1e-12)
    w = jnp.cos(dist / kernel_radius * (np.pi / 2.0))
    valid = (dist <= kernel_radius) & (ci >= 0) & (ci < H) & (cj >= 0) & (cj < W)
    vals = w * point_features[:, 0][:, None]
    vals = jnp.where(valid, vals, -jnp.inf)
    b = jnp.broadcast_to(batch_inds[:, None].astype(jnp.int32), ci.shape)
    flat_idx = (b * H + jnp.clip(ci, 0, H - 1)) * W + jnp.clip(cj, 0, W - 1)
    canvas = jnp.full((B * H * W,), -jnp.inf, dtype=background.dtype)
    canvas = canvas.at[flat_idx.reshape(-1)].max(vals.reshape(-1))
    canvas = canvas.reshape(B, 1, H, W)
    return jnp.maximum(canvas, background)

def setup_inputs(seed: int = 0):
    key = jax.random.key(seed)
    data = jax.random.normal(key, (4, 16384, 3), dtype=jnp.float32)
    return {"data": data, "view_id": 0}

def reference(data, view_id):
    pre = _pre_matrices()
    mat = pre[view_id]
    B, N, _ = data.shape
    pcds = data.reshape(-1, 3)
    hom = jnp.concatenate([pcds, jnp.ones_like(pcds[:, :1])], axis=1)
    out = hom @ mat.T
    trans = out[:, :3] / out[:, 3:4]
    pos_xs = trans[:, 0:1]
    pos_ys = trans[:, 1:2]
    pos_zs = trans[:, 2:3]
    pos_ijs = jnp.concatenate([-pos_ys, pos_xs], axis=1)
    point_features = 1.0 - (pos_zs - pos_zs.min()) / (pos_zs.max() - pos_zs.min())
    batch_inds = jnp.repeat(jnp.arange(B, dtype=jnp.int32), N)
    background = jnp.zeros((B, 1, IMAGE_SIZE, IMAGE_SIZE), dtype=data.dtype)
    depth_maps = _p2i_max(pos_ijs, point_features, batch_inds, background, 5)
    return depth_maps

if __name__ == "__main__":
    import jax
    _d = setup_inputs()
    print(jax.jit(kernel)(*tuple(_d.values())))

</pallas_src>

<mosaic_0001>
#map = affine_map<(d0, d1) -> (0)>
#map1 = affine_map<(d0, d1) -> (0, 0)>
module attributes {stable_mosaic.version = 14 : i64} {
  func.func @_scatter_body(%arg0: i32, %arg1: i32, %arg2: memref<65536xi32, #tpu.memory_space<hbm>>, %arg3: memref<65536xf32, #tpu.memory_space<hbm>>, %arg4: memref<65536xf32, #tpu.memory_space<hbm>>, %arg5: memref<65536xf32, #tpu.memory_space<hbm>>, %arg6: memref<112xi32, #tpu.memory_space<hbm>>, %arg7: memref<112xf32, #tpu.memory_space<hbm>>, %arg8: memref<112xf32, #tpu.memory_space<hbm>>, %arg9: memref<70756xf32, #tpu.memory_space<hbm>>, %arg10: memref<32x70756xf32, #tpu.memory_space<hbm>>, %arg11: memref<70756xf32, #tpu.memory_space<vmem>>, %arg12: memref<2048xi32, #tpu.memory_space<vmem>>, %arg13: memref<2048xf32, #tpu.memory_space<vmem>>, %arg14: memref<2048xf32, #tpu.memory_space<vmem>>, %arg15: memref<2048xf32, #tpu.memory_space<vmem>>, %arg16: memref<112xi32, #tpu.memory_space<vmem>>, %arg17: memref<112xf32, #tpu.memory_space<vmem>>, %arg18: memref<112xf32, #tpu.memory_space<vmem>>, %arg19: memref<2048xi32, #tpu.memory_space<vmem>>, %arg20: memref<2048xf32, #tpu.memory_space<vmem>>, %arg21: memref<2048xf32, #tpu.memory_space<vmem>>, %arg22: memref<2048xf32, #tpu.memory_space<vmem>>) attributes {dimension_semantics = [#tpu.dimension_semantics<core_parallel>, #tpu.dimension_semantics<subcore_parallel>], iteration_bounds = array<i64: 2, 16>, scalar_prefetch = 0 : i64, scratch_operands = 12 : i64, tpu.core_type = #tpu.core_type<sc_vector_subcore>, window_params = [{transform_indices = #map}, {transform_indices = #map}, {transform_indices = #map}, {transform_indices = #map}, {transform_indices = #map}, {transform_indices = #map}, {transform_indices = #map}, {transform_indices = #map}, {transform_indices = #map1}]} {
    %mul3A = arith.constant 2 : i32
    %mul3A_0 = arith.muli %arg1, %mul3A : i32
    %add3A = arith.addi %mul3A_0, %arg0 : i32
    %mul3A_1 = arith.constant 2048 : i32
    %mul3A_2 = arith.muli %add3A, %mul3A_1 : i32
    "tpu.region"() ({
      %run_scoped3A = tpu.sem_alloc : memref<!tpu.dma_semaphore, #tpu.memory_space<semaphore_mem>>
      %dma_start3A = tpu.memref_slice %arg2[%mul3A_2] : memref<65536xi32, #tpu.memory_space<hbm>> -> memref<2048xi32, #tpu.memory_space<hbm>>
      %dma_start3A_107 = tpu.memref_slice %arg2[%mul3A_2] : memref<65536xi32, #tpu.memory_space<hbm>> -> memref<2048xi32, #tpu.memory_space<hbm>>
      tpu.enqueue_dma source(%dma_start3A_107 : memref<2048xi32, #tpu.memory_space<hbm>>) target(%arg12 : memref<2048xi32, #tpu.memory_space<vmem>>) target_semaphore(%run_scoped3A : memref<!tpu.dma_semaphore, #tpu.memory_space<semaphore_mem>>)
      %dma_wait3A = tpu.memref_slice %arg2[%mul3A_2] : memref<65536xi32, #tpu.memory_space<hbm>> -> memref<2048xi32, #tpu.memory_space<hbm>>
      %dma_wait3A_108 = tpu.memref_slice %arg2[%mul3A_2] : memref<65536xi32, #tpu.memory_space<hbm>> -> memref<2048xi32, #tpu.memory_space<hbm>>
      tpu.wait_dma2 semaphore(%run_scoped3A : memref<!tpu.dma_semaphore, #tpu.memory_space<semaphore_mem>>) src(%dma_wait3A_108 : memref<2048xi32, #tpu.memory_space<hbm>>) dst(%arg12 : memref<2048xi32, #tpu.memory_space<vmem>>)
      tpu.yield
    }) : () -> ()
    "tpu.region"() ({
      %run_scoped3A = tpu.sem_alloc : memref<!tpu.dma_semaphore, #tpu.memory_space<semaphore_mem>>
      %dma_start3A = tpu.memref_slice %arg3[%mul3A_2] : memref<65536xf32, #tpu.memory_space<hbm>> -> memref<2048xf32, #tpu.memory_space<hbm>>
      %dma_start3A_107 = tpu.memref_slice %arg3[%mul3A_2] : memref<65536xf32, #tpu.memory_space<hbm>> -> memref<2048xf32, #tpu.memory_space<hbm>>
      tpu.enqueue_dma source(%dma_start3A_107 : memref<2048xf32, #tpu.memory_space<hbm>>) target(%arg13 : memref<2048xf32, #tpu.memory_space<vmem>>) target_semaphore(%run_scoped3A : memref<!tpu.dma_semaphore, #tpu.memory_space<semaphore_mem>>)
      %dma_wait3A = tpu.memref_slice %arg3[%mul3A_2] : memref<65536xf32, #tpu.memory_space<hbm>> -> memref<2048xf32, #tpu.memory_space<hbm>>
      %dma_wait3A_108 = tpu.memref_slice %arg3[%mul3A_2] : memref<65536xf32, #tpu.memory_space<hbm>> -> memref<2048xf32, #tpu.memory_space<hbm>>
      tpu.wait_dma2 semaphore(%run_scoped3A : memref<!tpu.dma_semaphore, #tpu.memory_space<semaphore_mem>>) src(%dma_wait3A_108 : memref<2048xf32, #tpu.memory_space<hbm>>) dst(%arg13 : memref<2048xf32, #tpu.memory_space<vmem>>)
      tpu.yield
    }) : () -> ()
    "tpu.region"() ({
      %run_scoped3A = tpu.sem_alloc : memref<!tpu.dma_semaphore, #tpu.memory_space<semaphore_mem>>
      %dma_start3A = tpu.memref_slice %arg4[%mul3A_2] : memref<65536xf32, #tpu.memory_space<hbm>> -> memref<2048xf32, #tpu.memory_space<hbm>>
      %dma_start3A_107 = tpu.memref_slice %arg4[%mul3A_2] : memref<65536xf32, #tpu.memory_space<hbm>> -> memref<2048xf32, #tpu.memory_space<hbm>>
      tpu.enqueue_dma source(%dma_start3A_107 : memref<2048xf32, #tpu.memory_space<hbm>>) target(%arg14 : memref<2048xf32, #tpu.memory_space<vmem>>) target_semaphore(%run_scoped3A : memref<!tpu.dma_semaphore, #tpu.memory_space<semaphore_mem>>)
      %dma_wait3A = tpu.memref_slice %arg4[%mul3A_2] : memref<65536xf32, #tpu.memory_space<hbm>> -> memref<2048xf32, #tpu.memory_space<hbm>>
      %dma_wait3A_108 = tpu.memref_slice %arg4[%mul3A_2] : memref<65536xf32, #tpu.memory_space<hbm>> -> memref<2048xf32, #tpu.memory_space<hbm>>
      tpu.wait_dma2 semaphore(%run_scoped3A : memref<!tpu.dma_semaphore, #tpu.memory_space<semaphore_mem>>) src(%dma_wait3A_108 : memref<2048xf32, #tpu.memory_space<hbm>>) dst(%arg14 : memref<2048xf32, #tpu.memory_space<vmem>>)
      tpu.yield
    }) : () -> ()
    "tpu.region"() ({
      %run_scoped3A = tpu.sem_alloc : memref<!tpu.dma_semaphore, #tpu.memory_space<semaphore_mem>>
      %dma_start3A = tpu.memref_slice %arg5[%mul3A_2] : memref<65536xf32, #tpu.memory_space<hbm>> -> memref<2048xf32, #tpu.memory_space<hbm>>
      %dma_start3A_107 = tpu.memref_slice %arg5[%mul3A_2] : memref<65536xf32, #tpu.memory_space<hbm>> -> memref<2048xf32, #tpu.memory_space<hbm>>
      tpu.enqueue_dma source(%dma_start3A_107 : memref<2048xf32, #tpu.memory_space<hbm>>) target(%arg15 : memref<2048xf32, #tpu.memory_space<vmem>>) target_semaphore(%run_scoped3A : memref<!tpu.dma_semaphore, #tpu.memory_space<semaphore_mem>>)
      %dma_wait3A = tpu.memref_slice %arg5[%mul3A_2] : memref<65536xf32, #tpu.memory_space<hbm>> -> memref<2048xf32, #tpu.memory_space<hbm>>
      %dma_wait3A_108 = tpu.memref_slice %arg5[%mul3A_2] : memref<65536xf32, #tpu.memory_space<hbm>> -> memref<2048xf32, #tpu.memory_space<hbm>>
      tpu.wait_dma2 semaphore(%run_scoped3A : memref<!tpu.dma_semaphore, #tpu.memory_space<semaphore_mem>>) src(%dma_wait3A_108 : memref<2048xf32, #tpu.memory_space<hbm>>) dst(%arg15 : memref<2048xf32, #tpu.memory_space<vmem>>)
      tpu.yield
    }) : () -> ()
    "tpu.region"() ({
      %run_scoped3A = tpu.sem_alloc : memref<!tpu.dma_semaphore, #tpu.memory_space<semaphore_mem>>
      tpu.enqueue_dma source(%arg6 : memref<112xi32, #tpu.memory_space<hbm>>) target(%arg16 : memref<112xi32, #tpu.memory_space<vmem>>) target_semaphore(%run_scoped3A : memref<!tpu.dma_semaphore, #tpu.memory_space<semaphore_mem>>)
      tpu.wait_dma2 semaphore(%run_scoped3A : memref<!tpu.dma_semaphore, #tpu.memory_space<semaphore_mem>>) src(%arg6 : memref<112xi32, #tpu.memory_space<hbm>>) dst(%arg16 : memref<112xi32, #tpu.memory_space<vmem>>)
      tpu.yield
    }) : () -> ()
    "tpu.region"() ({
      %run_scoped3A = tpu.sem_alloc : memref<!tpu.dma_semaphore, #tpu.memory_space<semaphore_mem>>
      tpu.enqueue_dma source(%arg7 : memref<112xf32, #tpu.memory_space<hbm>>) target(%arg17 : memref<112xf32, #tpu.memory_space<vmem>>) target_semaphore(%run_scoped3A : memref<!tpu.dma_semaphore, #tpu.memory_space<semaphore_mem>>)
      tpu.wait_dma2 semaphore(%run_scoped3A : memref<!tpu.dma_semaphore, #tpu.memory_space<semaphore_mem>>) src(%arg7 : memref<112xf32, #tpu.memory_space<hbm>>) dst(%arg17 : memref<112xf32, #tpu.memory_space<vmem>>)
      tpu.yield
    }) : () -> ()
    "tpu.region"() ({
      %run_scoped3A = tpu.sem_alloc : memref<!tpu.dma_semaphore, #tpu.memory_space<semaphore_mem>>
      tpu.enqueue_dma source(%arg8 : memref<112xf32, #tpu.memory_space<hbm>>) target(%arg18 : memref<112xf32, #tpu.memory_space<vmem>>) target_semaphore(%run_scoped3A : memref<!tpu.dma_semaphore, #tpu.memory_space<semaphore_mem>>)
      tpu.wait_dma2 semaphore(%run_scoped3A : memref<!tpu.dma_semaphore, #tpu.memory_space<semaphore_mem>>) src(%arg8 : memref<112xf32, #tpu.memory_space<hbm>>) dst(%arg18 : memref<112xf32, #tpu.memory_space<vmem>>)
      tpu.yield
    }) : () -> ()
    "tpu.region"() ({
      %run_scoped3A = tpu.sem_alloc : memref<!tpu.dma_semaphore, #tpu.memory_space<semaphore_mem>>
      tpu.enqueue_dma source(%arg9 : memref<70756xf32, #tpu.memory_space<hbm>>) target(%arg11 : memref<70756xf32, #tpu.memory_space<vmem>>) target_semaphore(%run_scoped3A : memref<!tpu.dma_semaphore, #tpu.memory_space<semaphore_mem>>)
      tpu.wait_dma2 semaphore(%run_scoped3A : memref<!tpu.dma_semaphore, #tpu.memory_space<semaphore_mem>>) src(%arg9 : memref<70756xf32, #tpu.memory_space<hbm>>) dst(%arg11 : memref<70756xf32, #tpu.memory_space<vmem>>)
      tpu.yield
    }) : () -> ()
    %scan3A = arith.constant 0 : i32
    %scan3A_3 = arith.constant 0 : i32
    %scan3A_4 = arith.constant 128 : i32
    %scan3A_5 = arith.addi %scan3A_3, %scan3A_4 : i32
    %scan3A_6 = arith.constant 1 : i32
    %scan3A_7 = scf.for %scan3A_107 = %scan3A_3 to %scan3A_5 step %scan3A_6 iter_args(%scan3A_108 = %scan3A) -> (i32)  : i32 {
      %mul3A_109 = arith.constant 16 : i32
      %mul3A_110 = arith.muli %scan3A_107, %mul3A_109 : i32
      %get3A_111 = arith.index_cast %mul3A_110 : i32 to index
      %get3A_112 = tpu.vector_load %arg13[%get3A_111] {strides = array<i32>} : memref<2048xf32, #tpu.memory_space<vmem>>, vector<16xf32>,
      %get3A_113 = arith.index_cast %mul3A_110 : i32 to index
      %get3A_114 = tpu.vector_load %arg14[%get3A_113] {strides = array<i32>} : memref<2048xf32, #tpu.memory_space<vmem>>, vector<16xf32>,
      %mul3A_115 = arith.mulf %get3A_112, %get3A_112 : vector<16xf32>
      %le3A = arith.constant 2.500000e+01 : f32
      %le3A_116 = vector.broadcast %le3A : f32 to vector<16xf32>
      %le3A_117 = arith.cmpf ole, %mul3A_115, %le3A_116 : vector<16xf32>
      %mul3A_118 = arith.mulf %get3A_114, %get3A_114 : vector<16xf32>
      %le3A_119 = arith.constant 2.500000e+01 : f32
      %le3A_120 = vector.broadcast %le3A_119 : f32 to vector<16xf32>
      %le3A_121 = arith.cmpf ole, %mul3A_118, %le3A_120 : vector<16xf32>
      %and3A_122 = arith.andi %le3A_117, %le3A_121 : vector<16xi1>
      %all_reduce_population_count3A = tpu.all_reduce %and3A_122 {dim = 0 : i64, kind = #tpu.reduction_kind<sum>} : vector<16xi1> -> vector<16xi32>
      %get3A_123 = arith.index_cast %mul3A_110 : i32 to index
      %get3A_124 = tpu.vector_load %arg12[%get3A_123] {strides = array<i32>} : memref<2048xi32, #tpu.memory_space<vmem>>, vector<16xi32>,
      %swap3A = arith.index_cast %scan3A_108 : i32 to index
      %swap3A_125 = tpu.vector_load %arg19[%swap3A] masked %and3A_122 {strides = array<i32>} : memref<2048xi32, #tpu.memory_space<vmem>>, vector<16xi32>, vector<16xi1>
      tpu.vector_store %arg19[%swap3A], %get3A_124 masked %and3A_122 {strides = array<i32>} : memref<2048xi32, #tpu.memory_space<vmem>>, vector<16xi32>, vector<16xi1>
      %swap3A_126 = arith.index_cast %scan3A_108 : i32 to index
      %swap3A_127 = tpu.vector_load %arg20[%swap3A_126] masked %and3A_122 {strides = array<i32>} : memref<2048xf32, #tpu.memory_space<vmem>>, vector<16xf32>, vector<16xi1>
      tpu.vector_store %arg20[%swap3A_126], %get3A_112 masked %and3A_122 {strides = array<i32>} : memref<2048xf32, #tpu.memory_space<vmem>>, vector<16xf32>, vector<16xi1>
      %swap3A_128 = arith.index_cast %scan3A_108 : i32 to index
      %swap3A_129 = tpu.vector_load %arg21[%swap3A_128] masked %and3A_122 {strides = array<i32>} : memref<2048xf32, #tpu.memory_space<vmem>>, vector<16xf32>, vector<16xi1>
      tpu.vector_store %arg21[%swap3A_128], %get3A_114 masked %and3A_122 {strides = array<i32>} : memref<2048xf32, #tpu.memory_space<vmem>>, vector<16xf32>, vector<16xi1>
      %get3A_130 = arith.index_cast %mul3A_110 : i32 to index
      %get3A_131 = tpu.vector_load %arg15[%get3A_130] {strides = array<i32>} : memref<2048xf32, #tpu.memory_space<vmem>>, vector<16xf32>,
      %swap3A_132 = arith.index_cast %scan3A_108 : i32 to index
      %swap3A_133 = tpu.vector_load %arg22[%swap3A_132] masked %and3A_122 {strides = array<i32>} : memref<2048xf32, #tpu.memory_space<vmem>>, vector<16xf32>, vector<16xi1>
      tpu.vector_store %arg22[%swap3A_132], %get3A_131 masked %and3A_122 {strides = array<i32>} : memref<2048xf32, #tpu.memory_space<vmem>>, vector<16xf32>, vector<16xi1>
      %reduce_max3A = arith.constant true
      %reduce_max3A_134 = vector.broadcast %reduce_max3A : i1 to vector<16xi1>
      %reduce_max3A_135 = arith.constant -2147483648 : i32
      %reduce_max3A_136 = vector.broadcast %reduce_max3A_135 : i32 to vector<16xi32>
      %reduce_max3A_137 = arith.xori %all_reduce_population_count3A, %reduce_max3A_136 : vector<16xi32>
      %reduce_max3A_138 = tpu.scan <max>, %reduce_max3A_137 masked %reduce_max3A_134 : vector<16xi32>, vector<16xi1> -> vector<16xi32>
      %reduce_max3A_139 = arith.xori %reduce_max3A_138, %reduce_max3A_136 : vector<16xi32>
      %reduce_max3A_140 = vector.extract %reduce_max3A_139[15] : i32 from vector<16xi32>
      %add3A_141 = arith.addi %scan3A_108, %reduce_max3A_140 : i32
      scf.yield %add3A_141 : i32
    }
    %scan3A_8 = arith.constant 128 : i32
    %iota3A = tpu.iota {dimensions = array<i32: 0>} : vector<16xi32>
    %eq3A = arith.constant 0 : i32
    %eq3A_9 = vector.broadcast %eq3A : i32 to vector<16xi32>
    %eq3A_10 = arith.cmpi eq, %iota3A, %eq3A_9 : vector<16xi32>
    %jit3A = arith.constant 2 : i32
    %eq3A_11 = arith.constant 0 : i32
    %eq3A_12 = arith.cmpi eq, %jit3A, %eq3A_11 : i32
    %jit3A_13 = arith.constant 1 : i32
    %select_n3A = arith.select %eq3A_12, %jit3A_13, %jit3A : i32
    %rem3A = arith.remsi %scan3A_7, %select_n3A : i32
    %ne3A = arith.constant 0 : i32
    %ne3A_14 = arith.cmpi ne, %rem3A, %ne3A : i32
    %lt3A = arith.constant 0 : i32
    %lt3A_15 = arith.cmpi slt, %rem3A, %lt3A : i32
    %lt3A_16 = arith.constant 0 : i32
    %lt3A_17 = arith.cmpi slt, %select_n3A, %lt3A_16 : i32
    %ne3A_18 = arith.xori %lt3A_15, %lt3A_17 : i1
    %and3A = arith.andi %ne3A_18, %ne3A_14 : i1
    %add3A_19 = arith.addi %rem3A, %select_n3A : i32
    %select_n3A_20 = arith.select %and3A, %add3A_19, %rem3A : i32
    %eq3A_21 = arith.constant 1 : i32
    %eq3A_22 = arith.cmpi eq, %select_n3A_20, %eq3A_21 : i32
    %and3A_23 = vector.broadcast %eq3A_22 : i1 to vector<16xi1>
    %and3A_24 = arith.andi %eq3A_10, %and3A_23 : vector<16xi1>
    %min3A = arith.constant 2047 : i32
    %min3A_25 = arith.minsi %scan3A_7, %min3A : i32
    %broadcast_in_dim3A = vector.broadcast %min3A_25 : i32 to vector<16xi32>
    %broadcast_in_dim3A_26 = arith.constant 1335 : i32
    %broadcast_in_dim3A_27 = vector.broadcast %broadcast_in_dim3A_26 : i32 to vector<16xi32>
    tpu.vector_store_idx %arg19[%broadcast_in_dim3A], %broadcast_in_dim3A_27 masked %and3A_24 : memref<2048xi32, #tpu.memory_space<vmem>>[vector<16xi32>], vector<16xi32>, vector<16xi1>
    %broadcast_in_dim3A_28 = arith.constant 0.000000e+00 : f32
    %broadcast_in_dim3A_29 = vector.broadcast %broadcast_in_dim3A_28 : f32 to vector<16xf32>
    tpu.vector_store_idx %arg20[%broadcast_in_dim3A], %broadcast_in_dim3A_29 masked %and3A_24 : memref<2048xf32, #tpu.memory_space<vmem>>[vector<16xi32>], vector<16xf32>, vector<16xi1>
    %broadcast_in_dim3A_30 = arith.constant 0.000000e+00 : f32
    %broadcast_in_dim3A_31 = vector.broadcast %broadcast_in_dim3A_30 : f32 to vector<16xf32>
    tpu.vector_store_idx %arg21[%broadcast_in_dim3A], %broadcast_in_dim3A_31 masked %and3A_24 : memref<2048xf32, #tpu.memory_space<vmem>>[vector<16xi32>], vector<16xf32>, vector<16xi1>
    %broadcast_in_dim3A_32 = arith.constant 0.000000e+00 : f32
    %broadcast_in_dim3A_33 = vector.broadcast %broadcast_in_dim3A_32 : f32 to vector<16xf32>
    tpu.vector_store_idx %arg22[%broadcast_in_dim3A], %broadcast_in_dim3A_33 masked %and3A_24 : memref<2048xf32, #tpu.memory_space<vmem>>[vector<16xi32>], vector<16xf32>, vector<16xi1>
    %get3A = arith.constant 0 : index
    %get3A_34 = tpu.vector_load %arg16[%get3A] {strides = array<i32>} : memref<112xi32, #tpu.memory_space<vmem>>, vector<16xi32>,
    %get3A_35 = arith.constant 16 : index
    %get3A_36 = tpu.vector_load %arg16[%get3A_35] {strides = array<i32>} : memref<112xi32, #tpu.memory_space<vmem>>, vector<16xi32>,
    %get3A_37 = arith.constant 32 : index
    %get3A_38 = tpu.vector_load %arg16[%get3A_37] {strides = array<i32>} : memref<112xi32, #tpu.memory_space<vmem>>, vector<16xi32>,
    %get3A_39 = arith.constant 48 : index
    %get3A_40 = tpu.vector_load %arg16[%get3A_39] {strides = array<i32>} : memref<112xi32, #tpu.memory_space<vmem>>, vector<16xi32>,
    %get3A_41 = arith.constant 64 : index
    %get3A_42 = tpu.vector_load %arg16[%get3A_41] {strides = array<i32>} : memref<112xi32, #tpu.memory_space<vmem>>, vector<16xi32>,
    %get3A_43 = arith.constant 80 : index
    %get3A_44 = tpu.vector_load %arg16[%get3A_43] {strides = array<i32>} : memref<112xi32, #tpu.memory_space<vmem>>, vector<16xi32>,
    %get3A_45 = arith.constant 96 : index
    %get3A_46 = tpu.vector_load %arg16[%get3A_45] {strides = array<i32>} : memref<112xi32, #tpu.memory_space<vmem>>, vector<16xi32>,
    %get3A_47 = arith.constant 0 : index
    %get3A_48 = tpu.vector_load %arg17[%get3A_47] {strides = array<i32>} : memref<112xf32, #tpu.memory_space<vmem>>, vector<16xf32>,
    %get3A_49 = arith.constant 16 : index
    %get3A_50 = tpu.vector_load %arg17[%get3A_49] {strides = array<i32>} : memref<112xf32, #tpu.memory_space<vmem>>, vector<16xf32>,
    %get3A_51 = arith.constant 32 : index
    %get3A_52 = tpu.vector_load %arg17[%get3A_51] {strides = array<i32>} : memref<112xf32, #tpu.memory_space<vmem>>, vector<16xf32>,
    %get3A_53 = arith.constant 48 : index
    %get3A_54 = tpu.vector_load %arg17[%get3A_53] {strides = array<i32>} : memref<112xf32, #tpu.memory_space<vmem>>, vector<16xf32>,
    %get3A_55 = arith.constant 64 : index
    %get3A_56 = tpu.vector_load %arg17[%get3A_55] {strides = array<i32>} : memref<112xf32, #tpu.memory_space<vmem>>, vector<16xf32>,
    %get3A_57 = arith.constant 80 : index
    %get3A_58 = tpu.vector_load %arg17[%get3A_57] {strides = array<i32>} : memref<112xf32, #tpu.memory_space<vmem>>, vector<16xf32>,
    %get3A_59 = arith.constant 96 : index
    %get3A_60 = tpu.vector_load %arg17[%get3A_59] {strides = array<i32>} : memref<112xf32, #tpu.memory_space<vmem>>, vector<16xf32>,
    %get3A_61 = arith.constant 0 : index
    %get3A_62 = tpu.vector_load %arg18[%get3A_61] {strides = array<i32>} : memref<112xf32, #tpu.memory_space<vmem>>, vector<16xf32>,
    %get3A_63 = arith.constant 16 : index
    %get3A_64 = tpu.vector_load %arg18[%get3A_63] {strides = array<i32>} : memref<112xf32, #tpu.memory_space<vmem>>, vector<16xf32>,
    %get3A_65 = arith.constant 32 : index
    %get3A_66 = tpu.vector_load %arg18[%get3A_65] {strides = array<i32>} : memref<112xf32, #tpu.memory_space<vmem>>, vector<16xf32>,
    %get3A_67 = arith.constant 48 : index
    %get3A_68 = tpu.vector_load %arg18[%get3A_67] {strides = array<i32>} : memref<112xf32, #tpu.memory_space<vmem>>, vector<16xf32>,
    %get3A_69 = arith.constant 64 : index
    %get3A_70 = tpu.vector_load %arg18[%get3A_69] {strides = array<i32>} : memref<112xf32, #tpu.memory_space<vmem>>, vector<16xf32>,
    %get3A_71 = arith.constant 80 : index
    %get3A_72 = tpu.vector_load %arg18[%get3A_71] {strides = array<i32>} : memref<112xf32, #tpu.memory_space<vmem>>, vector<16xf32>,
    %get3A_73 = arith.constant 96 : index
    %get3A_74 = tpu.vector_load %arg18[%get3A_73] {strides = array<i32>} : memref<112xf32, #tpu.memory_space<vmem>>, vector<16xf32>,
    %add3A_75 = arith.constant 1 : i32
    %add3A_76 = arith.addi %scan3A_7, %add3A_75 : i32
    %jit3A_77 = arith.constant 2 : i32
    %div3A = arith.divsi %add3A_76, %jit3A_77 : i32
    %sign3A = arith.constant 0 : i32
    %sign3A_78 = arith.cmpi sgt, %add3A_76, %sign3A : i32
    %sign3A_79 = arith.extui %sign3A_78 : i1 to i32
    %sign3A_80 = arith.constant 0 : i32
    %sign3A_81 = arith.cmpi slt, %add3A_76, %sign3A_80 : i32
    %sign3A_82 = arith.extui %sign3A_81 : i1 to i32
    %sign3A_83 = arith.subi %sign3A_79, %sign3A_82 : i32
    %sign3A_84 = arith.constant 0 : i32
    %sign3A_85 = arith.cmpi sgt, %jit3A_77, %sign3A_84 : i32
    %sign3A_86 = arith.extui %sign3A_85 : i1 to i32
    %sign3A_87 = arith.constant 0 : i32
    %sign3A_88 = arith.cmpi slt, %jit3A_77, %sign3A_87 : i32
    %sign3A_89 = arith.extui %sign3A_88 : i1 to i32
    %sign3A_90 = arith.subi %sign3A_86, %sign3A_89 : i32
    %ne3A_91 = arith.cmpi ne, %sign3A_83, %sign3A_90 : i32
    %rem3A_92 = arith.remsi %add3A_76, %jit3A_77 : i32
    %ne3A_93 = arith.constant 0 : i32
    %ne3A_94 = arith.cmpi ne, %rem3A_92, %ne3A_93 : i32
    %and3A_95 = arith.andi %ne3A_91, %ne3A_94 : i1
    %sub3A = arith.constant 1 : i32
    %sub3A_96 = arith.subi %div3A, %sub3A : i32
    %select_n3A_97 = arith.select %and3A_95, %sub3A_96, %div3A : i32
    %while3A = arith.constant 0 : i32
    %while3A_98 = arith.constant 0 : i32
    %while3A_99 = arith.subi %select_n3A_97, %while3A_98 : i32
    %while3A_100 = arith.addi %while3A_98, %while3A_99 : i32
    %while3A_101 = arith.constant 1 : i32
    %while3A_102 = arith.divsi %while3A_99, %while3A_101 : i32
    %while3A_103 = arith.muli %while3A_102, %while3A_101 : i32
    %while3A_104 = arith.addi %while3A_98, %while3A_103 : i32
    %while3A_105 = arith.constant 1 : i32
    scf.for %while3A_107 = %while3A_98 to %while3A_104 step %while3A_105  : i32 {
      %mul3A_108 = arith.constant 2 : i32
      %mul3A_109 = arith.muli %while3A_107, %mul3A_108 : i32
      %broadcast_in_dim3A_110 = vector.broadcast %mul3A_109 : i32 to vector<16xi32>
      %gather3A = tpu.vector_load_idx %arg19[%broadcast_in_dim3A_110] : memref<2048xi32, #tpu.memory_space<vmem>>[vector<16xi32>], vector<16xi32>,
      %gather3A_111 = tpu.vector_load_idx %arg20[%broadcast_in_dim3A_110] : memref<2048xf32, #tpu.memory_space<vmem>>[vector<16xi32>], vector<16xf32>,
      %gather3A_112 = tpu.vector_load_idx %arg21[%broadcast_in_dim3A_110] : memref<2048xf32, #tpu.memory_space<vmem>>[vector<16xi32>], vector<16xf32>,
      %gather3A_113 = tpu.vector_load_idx %arg22[%broadcast_in_dim3A_110] : memref<2048xf32, #tpu.memory_space<vmem>>[vector<16xi32>], vector<16xf32>,
      %mul3A_114 = arith.constant 1.000000e+00 : f32
      %mul3A_115 = vector.broadcast %mul3A_114 : f32 to vector<16xf32>
      %mul3A_116 = arith.mulf %gather3A_113, %mul3A_115 : vector<16xf32>
      %mul3A_117 = arith.constant -0.0493480228 : f32
      %mul3A_118 = vector.broadcast %mul3A_117 : f32 to vector<16xf32>
      %mul3A_119 = arith.mulf %gather3A_113, %mul3A_118 : vector<16xf32>
      %mul3A_120 = arith.constant 4.05871222E-4 : f32
      %mul3A_121 = vector.broadcast %mul3A_120 : f32 to vector<16xf32>
      %mul3A_122 = arith.mulf %gather3A_113, %mul3A_121 : vector<16xf32>
      %mul3A_123 = arith.constant -1.33526282E-6 : f32
      %mul3A_124 = vector.broadcast %mul3A_123 : f32 to vector<16xf32>
      %mul3A_125 = arith.mulf %gather3A_113, %mul3A_124 : vector<16xf32>
      %mul3A_126 = arith.constant 2.35330622E-9 : f32
      %mul3A_127 = vector.broadcast %mul3A_126 : f32 to vector<16xf32>
      %mul3A_128 = arith.mulf %gather3A_113, %mul3A_127 : vector<16xf32>
      %add3A_129 = arith.addi %gather3A, %get3A_34 : vector<16xi32>
      %sub3A_130 = arith.subf %get3A_48, %gather3A_111 : vector<16xf32>
      %sub3A_131 = arith.subf %get3A_62, %gather3A_112 : vector<16xf32>
      %mul3A_132 = arith.mulf %sub3A_130, %sub3A_130 : vector<16xf32>
      %mul3A_133 = arith.mulf %sub3A_131, %sub3A_131 : vector<16xf32>
      %add3A_134 = arith.addf %mul3A_132, %mul3A_133 : vector<16xf32>
      %min3A_135 = arith.constant 6.000000e+01 : f32
      %min3A_136 = vector.broadcast %min3A_135 : f32 to vector<16xf32>
      %min3A_137 = arith.minimumf %add3A_134, %min3A_136 : vector<16xf32>
      %mul3A_138 = arith.mulf %mul3A_128, %min3A_137 : vector<16xf32>
      %add3A_139 = arith.addf %mul3A_138, %mul3A_125 : vector<16xf32>
      %mul3A_140 = arith.mulf %add3A_139, %min3A_137 : vector<16xf32>
      %add3A_141 = arith.addf %mul3A_140, %mul3A_122 : vector<16xf32>
      %mul3A_142 = arith.mulf %add3A_141, %min3A_137 : vector<16xf32>
      %add3A_143 = arith.addf %mul3A_142, %mul3A_119 : vector<16xf32>
      %mul3A_144 = arith.mulf %add3A_143, %min3A_137 : vector<16xf32>
      %add3A_145 = arith.addf %mul3A_144, %mul3A_116 : vector<16xf32>
      %add3A_146 = arith.addi %gather3A, %get3A_36 : vector<16xi32>
      %sub3A_147 = arith.subf %get3A_50, %gather3A_111 : vector<16xf32>
      %sub3A_148 = arith.subf %get3A_64, %gather3A_112 : vector<16xf32>
      %mul3A_149 = arith.mulf %sub3A_147, %sub3A_147 : vector<16xf32>
      %mul3A_150 = arith.mulf %sub3A_148, %sub3A_148 : vector<16xf32>
      %add3A_151 = arith.addf %mul3A_149, %mul3A_150 : vector<16xf32>
      %min3A_152 = arith.constant 6.000000e+01 : f32
      %min3A_153 = vector.broadcast %min3A_152 : f32 to vector<16xf32>
      %min3A_154 = arith.minimumf %add3A_151, %min3A_153 : vector<16xf32>
      %mul3A_155 = arith.mulf %mul3A_128, %min3A_154 : vector<16xf32>
      %add3A_156 = arith.addf %mul3A_155, %mul3A_125 : vector<16xf32>
      %mul3A_157 = arith.mulf %add3A_156, %min3A_154 : vector<16xf32>
      %add3A_158 = arith.addf %mul3A_157, %mul3A_122 : vector<16xf32>
      %mul3A_159 = arith.mulf %add3A_158, %min3A_154 : vector<16xf32>
      %add3A_160 = arith.addf %mul3A_159, %mul3A_119 : vector<16xf32>
      %mul3A_161 = arith.mulf %add3A_160, %min3A_154 : vector<16xf32>
      %add3A_162 = arith.addf %mul3A_161, %mul3A_116 : vector<16xf32>
      %add3A_163 = arith.addi %gather3A, %get3A_38 : vector<16xi32>
      %sub3A_164 = arith.subf %get3A_52, %gather3A_111 : vector<16xf32>
      %sub3A_165 = arith.subf %get3A_66, %gather3A_112 : vector<16xf32>
      %mul3A_166 = arith.mulf %sub3A_164, %sub3A_164 : vector<16xf32>
      %mul3A_167 = arith.mulf %sub3A_165, %sub3A_165 : vector<16xf32>
      %add3A_168 = arith.addf %mul3A_166, %mul3A_167 : vector<16xf32>
      %min3A_169 = arith.constant 6.000000e+01 : f32
      %min3A_170 = vector.broadcast %min3A_169 : f32 to vector<16xf32>
      %min3A_171 = arith.minimumf %add3A_168, %min3A_170 : vector<16xf32>
      %mul3A_172 = arith.mulf %mul3A_128, %min3A_171 : vector<16xf32>
      %add3A_173 = arith.addf %mul3A_172, %mul3A_125 : vector<16xf32>
      %mul3A_174 = arith.mulf %add3A_173, %min3A_171 : vector<16xf32>
      %add3A_175 = arith.addf %mul3A_174, %mul3A_122 : vector<16xf32>
      %mul3A_176 = arith.mulf %add3A_175, %min3A_171 : vector<16xf32>
      %add3A_177 = arith.addf %mul3A_176, %mul3A_119 : vector<16xf32>
      %mul3A_178 = arith.mulf %add3A_177, %min3A_171 : vector<16xf32>
      %add3A_179 = arith.addf %mul3A_178, %mul3A_116 : vector<16xf32>
      %add3A_180 = arith.addi %gather3A, %get3A_40 : vector<16xi32>
      %sub3A_181 = arith.subf %get3A_54, %gather3A_111 : vector<16xf32>
      %sub3A_182 = arith.subf %get3A_68, %gather3A_112 : vector<16xf32>
      %mul3A_183 = arith.mulf %sub3A_181, %sub3A_181 : vector<16xf32>
      %mul3A_184 = arith.mulf %sub3A_182, %sub3A_182 : vector<16xf32>
      %add3A_185 = arith.addf %mul3A_183, %mul3A_184 : vector<16xf32>
      %min3A_186 = arith.constant 6.000000e+01 : f32
      %min3A_187 = vector.broadcast %min3A_186 : f32 to vector<16xf32>
      %min3A_188 = arith.minimumf %add3A_185, %min3A_187 : vector<16xf32>
      %mul3A_189 = arith.mulf %mul3A_128, %min3A_188 : vector<16xf32>
      %add3A_190 = arith.addf %mul3A_189, %mul3A_125 : vector<16xf32>
      %mul3A_191 = arith.mulf %add3A_190, %min3A_188 : vector<16xf32>
      %add3A_192 = arith.addf %mul3A_191, %mul3A_122 : vector<16xf32>
      %mul3A_193 = arith.mulf %add3A_192, %min3A_188 : vector<16xf32>
      %add3A_194 = arith.addf %mul3A_193, %mul3A_119 : vector<16xf32>
      %mul3A_195 = arith.mulf %add3A_194, %min3A_188 : vector<16xf32>
      %add3A_196 = arith.addf %mul3A_195, %mul3A_116 : vector<16xf32>
      %add3A_197 = arith.addi %gather3A, %get3A_42 : vector<16xi32>
      %sub3A_198 = arith.subf %get3A_56, %gather3A_111 : vector<16xf32>
      %sub3A_199 = arith.subf %get3A_70, %gather3A_112 : vector<16xf32>
      %mul3A_200 = arith.mulf %sub3A_198, %sub3A_198 : vector<16xf32>
      %mul3A_201 = arith.mulf %sub3A_199, %sub3A_199 : vector<16xf32>
      %add3A_202 = arith.addf %mul3A_200, %mul3A_201 : vector<16xf32>
      %min3A_203 = arith.constant 6.000000e+01 : f32
      %min3A_204 = vector.broadcast %min3A_203 : f32 to vector<16xf32>
      %min3A_205 = arith.minimumf %add3A_202, %min3A_204 : vector<16xf32>
      %mul3A_206 = arith.mulf %mul3A_128, %min3A_205 : vector<16xf32>
      %add3A_207 = arith.addf %mul3A_206, %mul3A_125 : vector<16xf32>
      %mul3A_208 = arith.mulf %add3A_207, %min3A_205 : vector<16xf32>
      %add3A_209 = arith.addf %mul3A_208, %mul3A_122 : vector<16xf32>
      %mul3A_210 = arith.mulf %add3A_209, %min3A_205 : vector<16xf32>
      %add3A_211 = arith.addf %mul3A_210, %mul3A_119 : vector<16xf32>
      %mul3A_212 = arith.mulf %add3A_211, %min3A_205 : vector<16xf32>
      %add3A_213 = arith.addf %mul3A_212, %mul3A_116 : vector<16xf32>
      %add3A_214 = arith.addi %gather3A, %get3A_44 : vector<16xi32>
      %sub3A_215 = arith.subf %get3A_58, %gather3A_111 : vector<16xf32>
      %sub3A_216 = arith.subf %get3A_72, %gather3A_112 : vector<16xf32>
      %mul3A_217 = arith.mulf %sub3A_215, %sub3A_215 : vector<16xf32>
      %mul3A_218 = arith.mulf %sub3A_216, %sub3A_216 : vector<16xf32>
      %add3A_219 = arith.addf %mul3A_217, %mul3A_218 : vector<16xf32>
      %min3A_220 = arith.constant 6.000000e+01 : f32
      %min3A_221 = vector.broadcast %min3A_220 : f32 to vector<16xf32>
      %min3A_222 = arith.minimumf %add3A_219, %min3A_221 : vector<16xf32>
      %mul3A_223 = arith.mulf %mul3A_128, %min3A_222 : vector<16xf32>
      %add3A_224 = arith.addf %mul3A_223, %mul3A_125 : vector<16xf32>
      %mul3A_225 = arith.mulf %add3A_224, %min3A_222 : vector<16xf32>
      %add3A_226 = arith.addf %mul3A_225, %mul3A_122 : vector<16xf32>
      %mul3A_227 = arith.mulf %add3A_226, %min3A_222 : vector<16xf32>
      %add3A_228 = arith.addf %mul3A_227, %mul3A_119 : vector<16xf32>
      %mul3A_229 = arith.mulf %add3A_228, %min3A_222 : vector<16xf32>
      %add3A_230 = arith.addf %mul3A_229, %mul3A_116 : vector<16xf32>
      %add3A_231 = arith.addi %gather3A, %get3A_46 : vector<16xi32>
      %sub3A_232 = arith.subf %get3A_60, %gather3A_111 : vector<16xf32>
      %sub3A_233 = arith.subf %get3A_74, %gather3A_112 : vector<16xf32>
      %mul3A_234 = arith.mulf %sub3A_232, %sub3A_232 : vector<16xf32>
      %mul3A_235 = arith.mulf %sub3A_233, %sub3A_233 : vector<16xf32>
      %add3A_236 = arith.addf %mul3A_234, %mul3A_235 : vector<16xf32>
      %min3A_237 = arith.constant 6.000000e+01 : f32
      %min3A_238 = vector.broadcast %min3A_237 : f32 to vector<16xf32>
      %min3A_239 = arith.minimumf %add3A_236, %min3A_238 : vector<16xf32>
      %mul3A_240 = arith.mulf %mul3A_128, %min3A_239 : vector<16xf32>
      %add3A_241 = arith.addf %mul3A_240, %mul3A_125 : vector<16xf32>
      %mul3A_242 = arith.mulf %add3A_241, %min3A_239 : vector<16xf32>
      %add3A_243 = arith.addf %mul3A_242, %mul3A_122 : vector<16xf32>
      %mul3A_244 = arith.mulf %add3A_243, %min3A_239 : vector<16xf32>
      %add3A_245 = arith.addf %mul3A_244, %mul3A_119 : vector<16xf32>
      %mul3A_246 = arith.mulf %add3A_245, %min3A_239 : vector<16xf32>
      %add3A_247 = arith.addf %mul3A_246, %mul3A_116 : vector<16xf32>
      %add3A_248 = arith.constant 1 : i32
      %add3A_249 = arith.addi %mul3A_109, %add3A_248 : i32
      %broadcast_in_dim3A_250 = vector.broadcast %add3A_249 : i32 to vector<16xi32>
      %gather3A_251 = tpu.vector_load_idx %arg19[%broadcast_in_dim3A_250] : memref<2048xi32, #tpu.memory_space<vmem>>[vector<16xi32>], vector<16xi32>,
      %gather3A_252 = tpu.vector_load_idx %arg20[%broadcast_in_dim3A_250] : memref<2048xf32, #tpu.memory_space<vmem>>[vector<16xi32>], vector<16xf32>,
      %gather3A_253 = tpu.vector_load_idx %arg21[%broadcast_in_dim3A_250] : memref<2048xf32, #tpu.memory_space<vmem>>[vector<16xi32>], vector<16xf32>,
      %gather3A_254 = tpu.vector_load_idx %arg22[%broadcast_in_dim3A_250] : memref<2048xf32, #tpu.memory_space<vmem>>[vector<16xi32>], vector<16xf32>,
      %mul3A_255 = arith.constant 1.000000e+00 : f32
      %mul3A_256 = vector.broadcast %mul3A_255 : f32 to vector<16xf32>
      %mul3A_257 = arith.mulf %gather3A_254, %mul3A_256 : vector<16xf32>
      %mul3A_258 = arith.constant -0.0493480228 : f32
      %mul3A_259 = vector.broadcast %mul3A_258 : f32 to vector<16xf32>
      %mul3A_260 = arith.mulf %gather3A_254, %mul3A_259 : vector<16xf32>
      %mul3A_261 = arith.constant 4.05871222E-4 : f32
      %mul3A_262 = vector.broadcast %mul3A_261 : f32 to vector<16xf32>
      %mul3A_263 = arith.mulf %gather3A_254, %mul3A_262 : vector<16xf32>
      %mul3A_264 = arith.constant -1.33526282E-6 : f32
      %mul3A_265 = vector.broadcast %mul3A_264 : f32 to vector<16xf32>
      %mul3A_266 = arith.mulf %gather3A_254, %mul3A_265 : vector<16xf32>
      %mul3A_267 = arith.constant 2.35330622E-9 : f32
      %mul3A_268 = vector.broadcast %mul3A_267 : f32 to vector<16xf32>
      %mul3A_269 = arith.mulf %gather3A_254, %mul3A_268 : vector<16xf32>
      %add3A_270 = arith.addi %gather3A_251, %get3A_34 : vector<16xi32>
      %sub3A_271 = arith.subf %get3A_48, %gather3A_252 : vector<16xf32>
      %sub3A_272 = arith.subf %get3A_62, %gather3A_253 : vector<16xf32>
      %mul3A_273 = arith.mulf %sub3A_271, %sub3A_271 : vector<16xf32>
      %mul3A_274 = arith.mulf %sub3A_272, %sub3A_272 : vector<16xf32>
      %add3A_275 = arith.addf %mul3A_273, %mul3A_274 : vector<16xf32>
      %min3A_276 = arith.constant 6.000000e+01 : f32
      %min3A_277 = vector.broadcast %min3A_276 : f32 to vector<16xf32>
      %min3A_278 = arith.minimumf %add3A_275, %min3A_277 : vector<16xf32>
      %mul3A_279 = arith.mulf %mul3A_269, %min3A_278 : vector<16xf32>
      %add3A_280 = arith.addf %mul3A_279, %mul3A_266 : vector<16xf32>
      %mul3A_281 = arith.mulf %add3A_280, %min3A_278 : vector<16xf32>
      %add3A_282 = arith.addf %mul3A_281, %mul3A_263 : vector<16xf32>
      %mul3A_283 = arith.mulf %add3A_282, %min3A_278 : vector<16xf32>
      %add3A_284 = arith.addf %mul3A_283, %mul3A_260 : vector<16xf32>
      %mul3A_285 = arith.mulf %add3A_284, %min3A_278 : vector<16xf32>
      %add3A_286 = arith.addf %mul3A_285, %mul3A_257 : vector<16xf32>
      %add3A_287 = arith.addi %gather3A_251, %get3A_36 : vector<16xi32>
      %sub3A_288 = arith.subf %get3A_50, %gather3A_252 : vector<16xf32>
      %sub3A_289 = arith.subf %get3A_64, %gather3A_253 : vector<16xf32>
      %mul3A_290 = arith.mulf %sub3A_288, %sub3A_288 : vector<16xf32>
      %mul3A_291 = arith.mulf %sub3A_289, %sub3A_289 : vector<16xf32>
      %add3A_292 = arith.addf %mul3A_290, %mul3A_291 : vector<16xf32>
      %min3A_293 = arith.constant 6.000000e+01 : f32
      %min3A_294 = vector.broadcast %min3A_293 : f32 to vector<16xf32>
      %min3A_295 = arith.minimumf %add3A_292, %min3A_294 : vector<16xf32>
      %mul3A_296 = arith.mulf %mul3A_269, %min3A_295 : vector<16xf32>
      %add3A_297 = arith.addf %mul3A_296, %mul3A_266 : vector<16xf32>
      %mul3A_298 = arith.mulf %add3A_297, %min3A_295 : vector<16xf32>
      %add3A_299 = arith.addf %mul3A_298, %mul3A_263 : vector<16xf32>
      %mul3A_300 = arith.mulf %add3A_299, %min3A_295 : vector<16xf32>
      %add3A_301 = arith.addf %mul3A_300, %mul3A_260 : vector<16xf32>
      %mul3A_302 = arith.mulf %add3A_301, %min3A_295 : vector<16xf32>
      %add3A_303 = arith.addf %mul3A_302, %mul3A_257 : vector<16xf32>
      %add3A_304 = arith.addi %gather3A_251, %get3A_38 : vector<16xi32>
      %sub3A_305 = arith.subf %get3A_52, %gather3A_252 : vector<16xf32>
      %sub3A_306 = arith.subf %get3A_66, %gather3A_253 : vector<16xf32>
      %mul3A_307 = arith.mulf %sub3A_305, %sub3A_305 : vector<16xf32>
      %mul3A_308 = arith.mulf %sub3A_306, %sub3A_306 : vector<16xf32>
      %add3A_309 = arith.addf %mul3A_307, %mul3A_308 : vector<16xf32>
      %min3A_310 = arith.constant 6.000000e+01 : f32
      %min3A_311 = vector.broadcast %min3A_310 : f32 to vector<16xf32>
      %min3A_312 = arith.minimumf %add3A_309, %min3A_311 : vector<16xf32>
      %mul3A_313 = arith.mulf %mul3A_269, %min3A_312 : vector<16xf32>
      %add3A_314 = arith.addf %mul3A_313, %mul3A_266 : vector<16xf32>
      %mul3A_315 = arith.mulf %add3A_314, %min3A_312 : vector<16xf32>
      %add3A_316 = arith.addf %mul3A_315, %mul3A_263 : vector<16xf32>
      %mul3A_317 = arith.mulf %add3A_316, %min3A_312 : vector<16xf32>
      %add3A_318 = arith.addf %mul3A_317, %mul3A_260 : vector<16xf32>
      %mul3A_319 = arith.mulf %add3A_318, %min3A_312 : vector<16xf32>
      %add3A_320 = arith.addf %mul3A_319, %mul3A_257 : vector<16xf32>
      %add3A_321 = arith.addi %gather3A_251, %get3A_40 : vector<16xi32>
      %sub3A_322 = arith.subf %get3A_54, %gather3A_252 : vector<16xf32>
      %sub3A_323 = arith.subf %get3A_68, %gather3A_253 : vector<16xf32>
      %mul3A_324 = arith.mulf %sub3A_322, %sub3A_322 : vector<16xf32>
      %mul3A_325 = arith.mulf %sub3A_323, %sub3A_323 : vector<16xf32>
      %add3A_326 = arith.addf %mul3A_324, %mul3A_325 : vector<16xf32>
      %min3A_327 = arith.constant 6.000000e+01 : f32
      %min3A_328 = vector.broadcast %min3A_327 : f32 to vector<16xf32>
      %min3A_329 = arith.minimumf %add3A_326, %min3A_328 : vector<16xf32>
      %mul3A_330 = arith.mulf %mul3A_269, %min3A_329 : vector<16xf32>
      %add3A_331 = arith.addf %mul3A_330, %mul3A_266 : vector<16xf32>
      %mul3A_332 = arith.mulf %add3A_331, %min3A_329 : vector<16xf32>
      %add3A_333 = arith.addf %mul3A_332, %mul3A_263 : vector<16xf32>
      %mul3A_334 = arith.mulf %add3A_333, %min3A_329 : vector<16xf32>
      %add3A_335 = arith.addf %mul3A_334, %mul3A_260 : vector<16xf32>
      %mul3A_336 = arith.mulf %add3A_335, %min3A_329 : vector<16xf32>
      %add3A_337 = arith.addf %mul3A_336, %mul3A_257 : vector<16xf32>
      %add3A_338 = arith.addi %gather3A_251, %get3A_42 : vector<16xi32>
      %sub3A_339 = arith.subf %get3A_56, %gather3A_252 : vector<16xf32>
      %sub3A_340 = arith.subf %get3A_70, %gather3A_253 : vector<16xf32>
      %mul3A_341 = arith.mulf %sub3A_339, %sub3A_339 : vector<16xf32>
      %mul3A_342 = arith.mulf %sub3A_340, %sub3A_340 : vector<16xf32>
      %add3A_343 = arith.addf %mul3A_341, %mul3A_342 : vector<16xf32>
      %min3A_344 = arith.constant 6.000000e+01 : f32
      %min3A_345 = vector.broadcast %min3A_344 : f32 to vector<16xf32>
      %min3A_346 = arith.minimumf %add3A_343, %min3A_345 : vector<16xf32>
      %mul3A_347 = arith.mulf %mul3A_269, %min3A_346 : vector<16xf32>
      %add3A_348 = arith.addf %mul3A_347, %mul3A_266 : vector<16xf32>
      %mul3A_349 = arith.mulf %add3A_348, %min3A_346 : vector<16xf32>
      %add3A_350 = arith.addf %mul3A_349, %mul3A_263 : vector<16xf32>
      %mul3A_351 = arith.mulf %add3A_350, %min3A_346 : vector<16xf32>
      %add3A_352 = arith.addf %mul3A_351, %mul3A_260 : vector<16xf32>
      %mul3A_353 = arith.mulf %add3A_352, %min3A_346 : vector<16xf32>
      %add3A_354 = arith.addf %mul3A_353, %mul3A_257 : vector<16xf32>
      %add3A_355 = arith.addi %gather3A_251, %get3A_44 : vector<16xi32>
      %sub3A_356 = arith.subf %get3A_58, %gather3A_252 : vector<16xf32>
      %sub3A_357 = arith.subf %get3A_72, %gather3A_253 : vector<16xf32>
      %mul3A_358 = arith.mulf %sub3A_356, %sub3A_356 : vector<16xf32>
      %mul3A_359 = arith.mulf %sub3A_357, %sub3A_357 : vector<16xf32>
      %add3A_360 = arith.addf %mul3A_358, %mul3A_359 : vector<16xf32>
      %min3A_361 = arith.constant 6.000000e+01 : f32
      %min3A_362 = vector.broadcast %min3A_361 : f32 to vector<16xf32>
      %min3A_363 = arith.minimumf %add3A_360, %min3A_362 : vector<16xf32>
      %mul3A_364 = arith.mulf %mul3A_269, %min3A_363 : vector<16xf32>
      %add3A_365 = arith.addf %mul3A_364, %mul3A_266 : vector<16xf32>
      %mul3A_366 = arith.mulf %add3A_365, %min3A_363 : vector<16xf32>
      %add3A_367 = arith.addf %mul3A_366, %mul3A_263 : vector<16xf32>
      %mul3A_368 = arith.mulf %add3A_367, %min3A_363 : vector<16xf32>
      %add3A_369 = arith.addf %mul3A_368, %mul3A_260 : vector<16xf32>
      %mul3A_370 = arith.mulf %add3A_369, %min3A_363 : vector<16xf32>
      %add3A_371 = arith.addf %mul3A_370, %mul3A_257 : vector<16xf32>
      %add3A_372 = arith.addi %gather3A_251, %get3A_46 : vector<16xi32>
      %sub3A_373 = arith.subf %get3A_60, %gather3A_252 : vector<16xf32>
      %sub3A_374 = arith.subf %get3A_74, %gather3A_253 : vector<16xf32>
      %mul3A_375 = arith.mulf %sub3A_373, %sub3A_373 : vector<16xf32>
      %mul3A_376 = arith.mulf %sub3A_374, %sub3A_374 : vector<16xf32>
      %add3A_377 = arith.addf %mul3A_375, %mul3A_376 : vector<16xf32>
      %min3A_378 = arith.constant 6.000000e+01 : f32
      %min3A_379 = vector.broadcast %min3A_378 : f32 to vector<16xf32>
      %min3A_380 = arith.minimumf %add3A_377, %min3A_379 : vector<16xf32>
      %mul3A_381 = arith.mulf %mul3A_269, %min3A_380 : vector<16xf32>
      %add3A_382 = arith.addf %mul3A_381, %mul3A_266 : vector<16xf32>
      %mul3A_383 = arith.mulf %add3A_382, %min3A_380 : vector<16xf32>
      %add3A_384 = arith.addf %mul3A_383, %mul3A_263 : vector<16xf32>
      %mul3A_385 = arith.mulf %add3A_384, %min3A_380 : vector<16xf32>
      %add3A_386 = arith.addf %mul3A_385, %mul3A_260 : vector<16xf32>
      %mul3A_387 = arith.mulf %add3A_386, %min3A_380 : vector<16xf32>
      %add3A_388 = arith.addf %mul3A_387, %mul3A_257 : vector<16xf32>
      %gather3A_389 = tpu.vector_load_idx %arg11[%add3A_129] : memref<70756xf32, #tpu.memory_space<vmem>>[vector<16xi32>], vector<16xf32>,
      %gather3A_390 = tpu.vector_load_idx %arg11[%add3A_146] : memref<70756xf32, #tpu.memory_space<vmem>>[vector<16xi32>], vector<16xf32>,
      %gather3A_391 = tpu.vector_load_idx %arg11[%add3A_163] : memref<70756xf32, #tpu.memory_space<vmem>>[vector<16xi32>], vector<16xf32>,
      %gather3A_392 = tpu.vector_load_idx %arg11[%add3A_180] : memref<70756xf32, #tpu.memory_space<vmem>>[vector<16xi32>], vector<16xf32>,
      %gather3A_393 = tpu.vector_load_idx %arg11[%add3A_197] : memref<70756xf32, #tpu.memory_space<vmem>>[vector<16xi32>], vector<16xf32>,
      %gather3A_394 = tpu.vector_load_idx %arg11[%add3A_214] : memref<70756xf32, #tpu.memory_space<vmem>>[vector<16xi32>], vector<16xf32>,
      %gather3A_395 = tpu.vector_load_idx %arg11[%add3A_231] : memref<70756xf32, #tpu.memory_space<vmem>>[vector<16xi32>], vector<16xf32>,
      %max3A = arith.maximumf %gather3A_389, %add3A_145 : vector<16xf32>
      tpu.vector_store_idx %arg11[%add3A_129], %max3A : memref<70756xf32, #tpu.memory_space<vmem>>[vector<16xi32>], vector<16xf32>,
      %max3A_396 = arith.maximumf %gather3A_390, %add3A_162 : vector<16xf32>
      tpu.vector_store_idx %arg11[%add3A_146], %max3A_396 : memref<70756xf32, #tpu.memory_space<vmem>>[vector<16xi32>], vector<16xf32>,
      %max3A_397 = arith.maximumf %gather3A_391, %add3A_179 : vector<16xf32>
      tpu.vector_store_idx %arg11[%add3A_163], %max3A_397 : memref<70756xf32, #tpu.memory_space<vmem>>[vector<16xi32>], vector<16xf32>,
      %max3A_398 = arith.maximumf %gather3A_392, %add3A_196 : vector<16xf32>
      tpu.vector_store_idx %arg11[%add3A_180], %max3A_398 : memref<70756xf32, #tpu.memory_space<vmem>>[vector<16xi32>], vector<16xf32>,
      %max3A_399 = arith.maximumf %gather3A_393, %add3A_213 : vector<16xf32>
      tpu.vector_store_idx %arg11[%add3A_197], %max3A_399 : memref<70756xf32, #tpu.memory_space<vmem>>[vector<16xi32>], vector<16xf32>,
      %max3A_400 = arith.maximumf %gather3A_394, %add3A_230 : vector<16xf32>
      tpu.vector_store_idx %arg11[%add3A_214], %max3A_400 : memref<70756xf32, #tpu.memory_space<vmem>>[vector<16xi32>], vector<16xf32>,
      %max3A_401 = arith.maximumf %gather3A_395, %add3A_247 : vector<16xf32>
      tpu.vector_store_idx %arg11[%add3A_231], %max3A_401 : memref<70756xf32, #tpu.memory_space<vmem>>[vector<16xi32>], vector<16xf32>,
      %gather3A_402 = tpu.vector_load_idx %arg11[%add3A_270] : memref<70756xf32, #tpu.memory_space<vmem>>[vector<16xi32>], vector<16xf32>,
      %gather3A_403 = tpu.vector_load_idx %arg11[%add3A_287] : memref<70756xf32, #tpu.memory_space<vmem>>[vector<16xi32>], vector<16xf32>,
      %gather3A_404 = tpu.vector_load_idx %arg11[%add3A_304] : memref<70756xf32, #tpu.memory_space<vmem>>[vector<16xi32>], vector<16xf32>,
      %gather3A_405 = tpu.vector_load_idx %arg11[%add3A_321] : memref<70756xf32, #tpu.memory_space<vmem>>[vector<16xi32>], vector<16xf32>,
      %gather3A_406 = tpu.vector_load_idx %arg11[%add3A_338] : memref<70756xf32, #tpu.memory_space<vmem>>[vector<16xi32>], vector<16xf32>,
      %gather3A_407 = tpu.vector_load_idx %arg11[%add3A_355] : memref<70756xf32, #tpu.memory_space<vmem>>[vector<16xi32>], vector<16xf32>,
      %gather3A_408 = tpu.vector_load_idx %arg11[%add3A_372] : memref<70756xf32, #tpu.memory_space<vmem>>[vector<16xi32>], vector<16xf32>,
      %max3A_409 = arith.maximumf %gather3A_402, %add3A_286 : vector<16xf32>
      tpu.vector_store_idx %arg11[%add3A_270], %max3A_409 : memref<70756xf32, #tpu.memory_space<vmem>>[vector<16xi32>], vector<16xf32>,
      %max3A_410 = arith.maximumf %gather3A_403, %add3A_303 : vector<16xf32>
      tpu.vector_store_idx %arg11[%add3A_287], %max3A_410 : memref<70756xf32, #tpu.memory_space<vmem>>[vector<16xi32>], vector<16xf32>,
      %max3A_411 = arith.maximumf %gather3A_404, %add3A_320 : vector<16xf32>
      tpu.vector_store_idx %arg11[%add3A_304], %max3A_411 : memref<70756xf32, #tpu.memory_space<vmem>>[vector<16xi32>], vector<16xf32>,
      %max3A_412 = arith.maximumf %gather3A_405, %add3A_337 : vector<16xf32>
      tpu.vector_store_idx %arg11[%add3A_321], %max3A_412 : memref<70756xf32, #tpu.memory_space<vmem>>[vector<16xi32>], vector<16xf32>,
      %max3A_413 = arith.maximumf %gather3A_406, %add3A_354 : vector<16xf32>
      tpu.vector_store_idx %arg11[%add3A_338], %max3A_413 : memref<70756xf32, #tpu.memory_space<vmem>>[vector<16xi32>], vector<16xf32>,
      %max3A_414 = arith.maximumf %gather3A_407, %add3A_371 : vector<16xf32>
      tpu.vector_store_idx %arg11[%add3A_355], %max3A_414 : memref<70756xf32, #tpu.memory_space<vmem>>[vector<16xi32>], vector<16xf32>,
      %max3A_415 = arith.maximumf %gather3A_408, %add3A_388 : vector<16xf32>
      tpu.vector_store_idx %arg11[%add3A_372], %max3A_415 : memref<70756xf32, #tpu.memory_space<vmem>>[vector<16xi32>], vector<16xf32>,
    }
    %while3A_106 = arith.constant 1 : i32
    scf.for %while3A_107 = %while3A_104 to %while3A_100 step %while3A_106  : i32 {
      %mul3A_108 = arith.constant 2 : i32
      %mul3A_109 = arith.muli %while3A_107, %mul3A_108 : i32
      %broadcast_in_dim3A_110 = vector.broadcast %mul3A_109 : i32 to vector<16xi32>
      %gather3A = tpu.vector_load_idx %arg19[%broadcast_in_dim3A_110] : memref<2048xi32, #tpu.memory_space<vmem>>[vector<16xi32>], vector<16xi32>,
      %gather3A_111 = tpu.vector_load_idx %arg20[%broadcast_in_dim3A_110] : memref<2048xf32, #tpu.memory_space<vmem>>[vector<16xi32>], vector<16xf32>,
      %gather3A_112 = tpu.vector_load_idx %arg21[%broadcast_in_dim3A_110] : memref<2048xf32, #tpu.memory_space<vmem>>[vector<16xi32>], vector<16xf32>,
      %gather3A_113 = tpu.vector_load_idx %arg22[%broadcast_in_dim3A_110] : memref<2048xf32, #tpu.memory_space<vmem>>[vector<16xi32>], vector<16xf32>,
      %mul3A_114 = arith.constant 1.000000e+00 : f32
      %mul3A_115 = vector.broadcast %mul3A_114 : f32 to vector<16xf32>
      %mul3A_116 = arith.mulf %gather3A_113, %mul3A_115 : vector<16xf32>
      %mul3A_117 = arith.constant -0.0493480228 : f32
      %mul3A_118 = vector.broadcast %mul3A_117 : f32 to vector<16xf32>
      %mul3A_119 = arith.mulf %gather3A_113, %mul3A_118 : vector<16xf32>
      %mul3A_120 = arith.constant 4.05871222E-4 : f32
      %mul3A_121 = vector.broadcast %mul3A_120 : f32 to vector<16xf32>
      %mul3A_122 = arith.mulf %gather3A_113, %mul3A_121 : vector<16xf32>
      %mul3A_123 = arith.constant -1.33526282E-6 : f32
      %mul3A_124 = vector.broadcast %mul3A_123 : f32 to vector<16xf32>
      %mul3A_125 = arith.mulf %gather3A_113, %mul3A_124 : vector<16xf32>
      %mul3A_126 = arith.constant 2.35330622E-9 : f32
      %mul3A_127 = vector.broadcast %mul3A_126 : f32 to vector<16xf32>
      %mul3A_128 = arith.mulf %gather3A_113, %mul3A_127 : vector<16xf32>
      %add3A_129 = arith.addi %gather3A, %get3A_34 : vector<16xi32>
      %sub3A_130 = arith.subf %get3A_48, %gather3A_111 : vector<16xf32>
      %sub3A_131 = arith.subf %get3A_62, %gather3A_112 : vector<16xf32>
      %mul3A_132 = arith.mulf %sub3A_130, %sub3A_130 : vector<16xf32>
      %mul3A_133 = arith.mulf %sub3A_131, %sub3A_131 : vector<16xf32>
      %add3A_134 = arith.addf %mul3A_132, %mul3A_133 : vector<16xf32>
      %min3A_135 = arith.constant 6.000000e+01 : f32
      %min3A_136 = vector.broadcast %min3A_135 : f32 to vector<16xf32>
      %min3A_137 = arith.minimumf %add3A_134, %min3A_136 : vector<16xf32>
      %mul3A_138 = arith.mulf %mul3A_128, %min3A_137 : vector<16xf32>
      %add3A_139 = arith.addf %mul3A_138, %mul3A_125 : vector<16xf32>
      %mul3A_140 = arith.mulf %add3A_139, %min3A_137 : vector<16xf32>
      %add3A_141 = arith.addf %mul3A_140, %mul3A_122 : vector<16xf32>
      %mul3A_142 = arith.mulf %add3A_141, %min3A_137 : vector<16xf32>
      %add3A_143 = arith.addf %mul3A_142, %mul3A_119 : vector<16xf32>
      %mul3A_144 = arith.mulf %add3A_143, %min3A_137 : vector<16xf32>
      %add3A_145 = arith.addf %mul3A_144, %mul3A_116 : vector<16xf32>
      %add3A_146 = arith.addi %gather3A, %get3A_36 : vector<16xi32>
      %sub3A_147 = arith.subf %get3A_50, %gather3A_111 : vector<16xf32>
      %sub3A_148 = arith.subf %get3A_64, %gather3A_112 : vector<16xf32>
      %mul3A_149 = arith.mulf %sub3A_147, %sub3A_147 : vector<16xf32>
      %mul3A_150 = arith.mulf %sub3A_148, %sub3A_148 : vector<16xf32>
      %add3A_151 = arith.addf %mul3A_149, %mul3A_150 : vector<16xf32>
      %min3A_152 = arith.constant 6.000000e+01 : f32
      %min3A_153 = vector.broadcast %min3A_152 : f32 to vector<16xf32>
      %min3A_154 = arith.minimumf %add3A_151, %min3A_153 : vector<16xf32>
      %mul3A_155 = arith.mulf %mul3A_128, %min3A_154 : vector<16xf32>
      %add3A_156 = arith.addf %mul3A_155, %mul3A_125 : vector<16xf32>
      %mul3A_157 = arith.mulf %add3A_156, %min3A_154 : vector<16xf32>
      %add3A_158 = arith.addf %mul3A_157, %mul3A_122 : vector<16xf32>
      %mul3A_159 = arith.mulf %add3A_158, %min3A_154 : vector<16xf32>
      %add3A_160 = arith.addf %mul3A_159, %mul3A_119 : vector<16xf32>
      %mul3A_161 = arith.mulf %add3A_160, %min3A_154 : vector<16xf32>
      %add3A_162 = arith.addf %mul3A_161, %mul3A_116 : vector<16xf32>
      %add3A_163 = arith.addi %gather3A, %get3A_38 : vector<16xi32>
      %sub3A_164 = arith.subf %get3A_52, %gather3A_111 : vector<16xf32>
      %sub3A_165 = arith.subf %get3A_66, %gather3A_112 : vector<16xf32>
      %mul3A_166 = arith.mulf %sub3A_164, %sub3A_164 : vector<16xf32>
      %mul3A_167 = arith.mulf %sub3A_165, %sub3A_165 : vector<16xf32>
      %add3A_168 = arith.addf %mul3A_166, %mul3A_167 : vector<16xf32>
      %min3A_169 = arith.constant 6.000000e+01 : f32
      %min3A_170 = vector.broadcast %min3A_169 : f32 to vector<16xf32>
      %min3A_171 = arith.minimumf %add3A_168, %min3A_170 : vector<16xf32>
      %mul3A_172 = arith.mulf %mul3A_128, %min3A_171 : vector<16xf32>
      %add3A_173 = arith.addf %mul3A_172, %mul3A_125 : vector<16xf32>
      %mul3A_174 = arith.mulf %add3A_173, %min3A_171 : vector<16xf32>
      %add3A_175 = arith.addf %mul3A_174, %mul3A_122 : vector<16xf32>
      %mul3A_176 = arith.mulf %add3A_175, %min3A_171 : vector<16xf32>
      %add3A_177 = arith.addf %mul3A_176, %mul3A_119 : vector<16xf32>
      %mul3A_178 = arith.mulf %add3A_177, %min3A_171 : vector<16xf32>
      %add3A_179 = arith.addf %mul3A_178, %mul3A_116 : vector<16xf32>
      %add3A_180 = arith.addi %gather3A, %get3A_40 : vector<16xi32>
      %sub3A_181 = arith.subf %get3A_54, %gather3A_111 : vector<16xf32>
      %sub3A_182 = arith.subf %get3A_68, %gather3A_112 : vector<16xf32>
      %mul3A_183 = arith.mulf %sub3A_181, %sub3A_181 : vector<16xf32>
      %mul3A_184 = arith.mulf %sub3A_182, %sub3A_182 : vector<16xf32>
      %add3A_185 = arith.addf %mul3A_183, %mul3A_184 : vector<16xf32>
      %min3A_186 = arith.constant 6.000000e+01 : f32
      %min3A_187 = vector.broadcast %min3A_186 : f32 to vector<16xf32>
      %min3A_188 = arith.minimumf %add3A_185, %min3A_187 : vector<16xf32>
      %mul3A_189 = arith.mulf %mul3A_128, %min3A_188 : vector<16xf32>
      %add3A_190 = arith.addf %mul3A_189, %mul3A_125 : vector<16xf32>
      %mul3A_191 = arith.mulf %add3A_190, %min3A_188 : vector<16xf32>
      %add3A_192 = arith.addf %mul3A_191, %mul3A_122 : vector<16xf32>
      %mul3A_193 = arith.mulf %add3A_192, %min3A_188 : vector<16xf32>
      %add3A_194 = arith.addf %mul3A_193, %mul3A_119 : vector<16xf32>
      %mul3A_195 = arith.mulf %add3A_194, %min3A_188 : vector<16xf32>
      %add3A_196 = arith.addf %mul3A_195, %mul3A_116 : vector<16xf32>
      %add3A_197 = arith.addi %gather3A, %get3A_42 : vector<16xi32>
      %sub3A_198 = arith.subf %get3A_56, %gather3A_111 : vector<16xf32>
      %sub3A_199 = arith.subf %get3A_70, %gather3A_112 : vector<16xf32>
      %mul3A_200 = arith.mulf %sub3A_198, %sub3A_198 : vector<16xf32>
      %mul3A_201 = arith.mulf %sub3A_199, %sub3A_199 : vector<16xf32>
      %add3A_202 = arith.addf %mul3A_200, %mul3A_201 : vector<16xf32>
      %min3A_203 = arith.constant 6.000000e+01 : f32
      %min3A_204 = vector.broadcast %min3A_203 : f32 to vector<16xf32>
      %min3A_205 = arith.minimumf %add3A_202, %min3A_204 : vector<16xf32>
      %mul3A_206 = arith.mulf %mul3A_128, %min3A_205 : vector<16xf32>
      %add3A_207 = arith.addf %mul3A_206, %mul3A_125 : vector<16xf32>
      %mul3A_208 = arith.mulf %add3A_207, %min3A_205 : vector<16xf32>
      %add3A_209 = arith.addf %mul3A_208, %mul3A_122 : vector<16xf32>
      %mul3A_210 = arith.mulf %add3A_209, %min3A_205 : vector<16xf32>
      %add3A_211 = arith.addf %mul3A_210, %mul3A_119 : vector<16xf32>
      %mul3A_212 = arith.mulf %add3A_211, %min3A_205 : vector<16xf32>
      %add3A_213 = arith.addf %mul3A_212, %mul3A_116 : vector<16xf32>
      %add3A_214 = arith.addi %gather3A, %get3A_44 : vector<16xi32>
      %sub3A_215 = arith.subf %get3A_58, %gather3A_111 : vector<16xf32>
      %sub3A_216 = arith.subf %get3A_72, %gather3A_112 : vector<16xf32>
      %mul3A_217 = arith.mulf %sub3A_215, %sub3A_215 : vector<16xf32>
      %mul3A_218 = arith.mulf %sub3A_216, %sub3A_216 : vector<16xf32>
      %add3A_219 = arith.addf %mul3A_217, %mul3A_218 : vector<16xf32>
      %min3A_220 = arith.constant 6.000000e+01 : f32
      %min3A_221 = vector.broadcast %min3A_220 : f32 to vector<16xf32>
      %min3A_222 = arith.minimumf %add3A_219, %min3A_221 : vector<16xf32>
      %mul3A_223 = arith.mulf %mul3A_128, %min3A_222 : vector<16xf32>
      %add3A_224 = arith.addf %mul3A_223, %mul3A_125 : vector<16xf32>
      %mul3A_225 = arith.mulf %add3A_224, %min3A_222 : vector<16xf32>
      %add3A_226 = arith.addf %mul3A_225, %mul3A_122 : vector<16xf32>
      %mul3A_227 = arith.mulf %add3A_226, %min3A_222 : vector<16xf32>
      %add3A_228 = arith.addf %mul3A_227, %mul3A_119 : vector<16xf32>
      %mul3A_229 = arith.mulf %add3A_228, %min3A_222 : vector<16xf32>
      %add3A_230 = arith.addf %mul3A_229, %mul3A_116 : vector<16xf32>
      %add3A_231 = arith.addi %gather3A, %get3A_46 : vector<16xi32>
      %sub3A_232 = arith.subf %get3A_60, %gather3A_111 : vector<16xf32>
      %sub3A_233 = arith.subf %get3A_74, %gather3A_112 : vector<16xf32>
      %mul3A_234 = arith.mulf %sub3A_232, %sub3A_232 : vector<16xf32>
      %mul3A_235 = arith.mulf %sub3A_233, %sub3A_233 : vector<16xf32>
      %add3A_236 = arith.addf %mul3A_234, %mul3A_235 : vector<16xf32>
      %min3A_237 = arith.constant 6.000000e+01 : f32
      %min3A_238 = vector.broadcast %min3A_237 : f32 to vector<16xf32>
      %min3A_239 = arith.minimumf %add3A_236, %min3A_238 : vector<16xf32>
      %mul3A_240 = arith.mulf %mul3A_128, %min3A_239 : vector<16xf32>
      %add3A_241 = arith.addf %mul3A_240, %mul3A_125 : vector<16xf32>
      %mul3A_242 = arith.mulf %add3A_241, %min3A_239 : vector<16xf32>
      %add3A_243 = arith.addf %mul3A_242, %mul3A_122 : vector<16xf32>
      %mul3A_244 = arith.mulf %add3A_243, %min3A_239 : vector<16xf32>
      %add3A_245 = arith.addf %mul3A_244, %mul3A_119 : vector<16xf32>
      %mul3A_246 = arith.mulf %add3A_245, %min3A_239 : vector<16xf32>
      %add3A_247 = arith.addf %mul3A_246, %mul3A_116 : vector<16xf32>
      %add3A_248 = arith.constant 1 : i32
      %add3A_249 = arith.addi %mul3A_109, %add3A_248 : i32
      %broadcast_in_dim3A_250 = vector.broadcast %add3A_249 : i32 to vector<16xi32>
      %gather3A_251 = tpu.vector_load_idx %arg19[%broadcast_in_dim3A_250] : memref<2048xi32, #tpu.memory_space<vmem>>[vector<16xi32>], vector<16xi32>,
      %gather3A_252 = tpu.vector_load_idx %arg20[%broadcast_in_dim3A_250] : memref<2048xf32, #tpu.memory_space<vmem>>[vector<16xi32>], vector<16xf32>,
      %gather3A_253 = tpu.vector_load_idx %arg21[%broadcast_in_dim3A_250] : memref<2048xf32, #tpu.memory_space<vmem>>[vector<16xi32>], vector<16xf32>,
      %gather3A_254 = tpu.vector_load_idx %arg22[%broadcast_in_dim3A_250] : memref<2048xf32, #tpu.memory_space<vmem>>[vector<16xi32>], vector<16xf32>,
      %mul3A_255 = arith.constant 1.000000e+00 : f32
      %mul3A_256 = vector.broadcast %mul3A_255 : f32 to vector<16xf32>
      %mul3A_257 = arith.mulf %gather3A_254, %mul3A_256 : vector<16xf32>
      %mul3A_258 = arith.constant -0.0493480228 : f32
      %mul3A_259 = vector.broadcast %mul3A_258 : f32 to vector<16xf32>
      %mul3A_260 = arith.mulf %gather3A_254, %mul3A_259 : vector<16xf32>
      %mul3A_261 = arith.constant 4.05871222E-4 : f32
      %mul3A_262 = vector.broadcast %mul3A_261 : f32 to vector<16xf32>
      %mul3A_263 = arith.mulf %gather3A_254, %mul3A_262 : vector<16xf32>
      %mul3A_264 = arith.constant -1.33526282E-6 : f32
      %mul3A_265 = vector.broadcast %mul3A_264 : f32 to vector<16xf32>
      %mul3A_266 = arith.mulf %gather3A_254, %mul3A_265 : vector<16xf32>
      %mul3A_267 = arith.constant 2.35330622E-9 : f32
      %mul3A_268 = vector.broadcast %mul3A_267 : f32 to vector<16xf32>
      %mul3A_269 = arith.mulf %gather3A_254, %mul3A_268 : vector<16xf32>
      %add3A_270 = arith.addi %gather3A_251, %get3A_34 : vector<16xi32>
      %sub3A_271 = arith.subf %get3A_48, %gather3A_252 : vector<16xf32>
      %sub3A_272 = arith.subf %get3A_62, %gather3A_253 : vector<16xf32>
      %mul3A_273 = arith.mulf %sub3A_271, %sub3A_271 : vector<16xf32>
      %mul3A_274 = arith.mulf %sub3A_272, %sub3A_272 : vector<16xf32>
      %add3A_275 = arith.addf %mul3A_273, %mul3A_274 : vector<16xf32>
      %min3A_276 = arith.constant 6.000000e+01 : f32
      %min3A_277 = vector.broadcast %min3A_276 : f32 to vector<16xf32>
      %min3A_278 = arith.minimumf %add3A_275, %min3A_277 : vector<16xf32>
      %mul3A_279 = arith.mulf %mul3A_269, %min3A_278 : vector<16xf32>
      %add3A_280 = arith.addf %mul3A_279, %mul3A_266 : vector<16xf32>
      %mul3A_281 = arith.mulf %add3A_280, %min3A_278 : vector<16xf32>
      %add3A_282 = arith.addf %mul3A_281, %mul3A_263 : vector<16xf32>
      %mul3A_283 = arith.mulf %add3A_282, %min3A_278 : vector<16xf32>
      %add3A_284 = arith.addf %mul3A_283, %mul3A_260 : vector<16xf32>
      %mul3A_285 = arith.mulf %add3A_284, %min3A_278 : vector<16xf32>
      %add3A_286 = arith.addf %mul3A_285, %mul3A_257 : vector<16xf32>
      %add3A_287 = arith.addi %gather3A_251, %get3A_36 : vector<16xi32>
      %sub3A_288 = arith.subf %get3A_50, %gather3A_252 : vector<16xf32>
      %sub3A_289 = arith.subf %get3A_64, %gather3A_253 : vector<16xf32>
      %mul3A_290 = arith.mulf %sub3A_288, %sub3A_288 : vector<16xf32>
      %mul3A_291 = arith.mulf %sub3A_289, %sub3A_289 : vector<16xf32>
      %add3A_292 = arith.addf %mul3A_290, %mul3A_291 : vector<16xf32>
      %min3A_293 = arith.constant 6.000000e+01 : f32
      %min3A_294 = vector.broadcast %min3A_293 : f32 to vector<16xf32>
      %min3A_295 = arith.minimumf %add3A_292, %min3A_294 : vector<16xf32>
      %mul3A_296 = arith.mulf %mul3A_269, %min3A_295 : vector<16xf32>
      %add3A_297 = arith.addf %mul3A_296, %mul3A_266 : vector<16xf32>
      %mul3A_298 = arith.mulf %add3A_297, %min3A_295 : vector<16xf32>
      %add3A_299 = arith.addf %mul3A_298, %mul3A_263 : vector<16xf32>
      %mul3A_300 = arith.mulf %add3A_299, %min3A_295 : vector<16xf32>
      %add3A_301 = arith.addf %mul3A_300, %mul3A_260 : vector<16xf32>
      %mul3A_302 = arith.mulf %add3A_301, %min3A_295 : vector<16xf32>
      %add3A_303 = arith.addf %mul3A_302, %mul3A_257 : vector<16xf32>
      %add3A_304 = arith.addi %gather3A_251, %get3A_38 : vector<16xi32>
      %sub3A_305 = arith.subf %get3A_52, %gather3A_252 : vector<16xf32>
      %sub3A_306 = arith.subf %get3A_66, %gather3A_253 : vector<16xf32>
      %mul3A_307 = arith.mulf %sub3A_305, %sub3A_305 : vector<16xf32>
      %mul3A_308 = arith.mulf %sub3A_306, %sub3A_306 : vector<16xf32>
      %add3A_309 = arith.addf %mul3A_307, %mul3A_308 : vector<16xf32>
      %min3A_310 = arith.constant 6.000000e+01 : f32
      %min3A_311 = vector.broadcast %min3A_310 : f32 to vector<16xf32>
      %min3A_312 = arith.minimumf %add3A_309, %min3A_311 : vector<16xf32>
      %mul3A_313 = arith.mulf %mul3A_269, %min3A_312 : vector<16xf32>
      %add3A_314 = arith.addf %mul3A_313, %mul3A_266 : vector<16xf32>
      %mul3A_315 = arith.mulf %add3A_314, %min3A_312 : vector<16xf32>
      %add3A_316 = arith.addf %mul3A_315, %mul3A_263 : vector<16xf32>
      %mul3A_317 = arith.mulf %add3A_316, %min3A_312 : vector<16xf32>
      %add3A_318 = arith.addf %mul3A_317, %mul3A_260 : vector<16xf32>
      %mul3A_319 = arith.mulf %add3A_318, %min3A_312 : vector<16xf32>
      %add3A_320 = arith.addf %mul3A_319, %mul3A_257 : vector<16xf32>
      %add3A_321 = arith.addi %gather3A_251, %get3A_40 : vector<16xi32>
      %sub3A_322 = arith.subf %get3A_54, %gather3A_252 : vector<16xf32>
      %sub3A_323 = arith.subf %get3A_68, %gather3A_253 : vector<16xf32>
      %mul3A_324 = arith.mulf %sub3A_322, %sub3A_322 : vector<16xf32>
      %mul3A_325 = arith.mulf %sub3A_323, %sub3A_323 : vector<16xf32>
      %add3A_326 = arith.addf %mul3A_324, %mul3A_325 : vector<16xf32>
      %min3A_327 = arith.constant 6.000000e+01 : f32
      %min3A_328 = vector.broadcast %min3A_327 : f32 to vector<16xf32>
      %min3A_329 = arith.minimumf %add3A_326, %min3A_328 : vector<16xf32>
      %mul3A_330 = arith.mulf %mul3A_269, %min3A_329 : vector<16xf32>
      %add3A_331 = arith.addf %mul3A_330, %mul3A_266 : vector<16xf32>
      %mul3A_332 = arith.mulf %add3A_331, %min3A_329 : vector<16xf32>
      %add3A_333 = arith.addf %mul3A_332, %mul3A_263 : vector<16xf32>
      %mul3A_334 = arith.mulf %add3A_333, %min3A_329 : vector<16xf32>
      %add3A_335 = arith.addf %mul3A_334, %mul3A_260 : vector<16xf32>
      %mul3A_336 = arith.mulf %add3A_335, %min3A_329 : vector<16xf32>
      %add3A_337 = arith.addf %mul3A_336, %mul3A_257 : vector<16xf32>
      %add3A_338 = arith.addi %gather3A_251, %get3A_42 : vector<16xi32>
      %sub3A_339 = arith.subf %get3A_56, %gather3A_252 : vector<16xf32>
      %sub3A_340 = arith.subf %get3A_70, %gather3A_253 : vector<16xf32>
      %mul3A_341 = arith.mulf %sub3A_339, %sub3A_339 : vector<16xf32>
      %mul3A_342 = arith.mulf %sub3A_340, %sub3A_340 : vector<16xf32>
      %add3A_343 = arith.addf %mul3A_341, %mul3A_342 : vector<16xf32>
      %min3A_344 = arith.constant 6.000000e+01 : f32
      %min3A_345 = vector.broadcast %min3A_344 : f32 to vector<16xf32>
      %min3A_346 = arith.minimumf %add3A_343, %min3A_345 : vector<16xf32>
      %mul3A_347 = arith.mulf %mul3A_269, %min3A_346 : vector<16xf32>
      %add3A_348 = arith.addf %mul3A_347, %mul3A_266 : vector<16xf32>
      %mul3A_349 = arith.mulf %add3A_348, %min3A_346 : vector<16xf32>
      %add3A_350 = arith.addf %mul3A_349, %mul3A_263 : vector<16xf32>
      %mul3A_351 = arith.mulf %add3A_350, %min3A_346 : vector<16xf32>
      %add3A_352 = arith.addf %mul3A_351, %mul3A_260 : vector<16xf32>
      %mul3A_353 = arith.mulf %add3A_352, %min3A_346 : vector<16xf32>
      %add3A_354 = arith.addf %mul3A_353, %mul3A_257 : vector<16xf32>
      %add3A_355 = arith.addi %gather3A_251, %get3A_44 : vector<16xi32>
      %sub3A_356 = arith.subf %get3A_58, %gather3A_252 : vector<16xf32>
      %sub3A_357 = arith.subf %get3A_72, %gather3A_253 : vector<16xf32>
      %mul3A_358 = arith.mulf %sub3A_356, %sub3A_356 : vector<16xf32>
      %mul3A_359 = arith.mulf %sub3A_357, %sub3A_357 : vector<16xf32>
      %add3A_360 = arith.addf %mul3A_358, %mul3A_359 : vector<16xf32>
      %min3A_361 = arith.constant 6.000000e+01 : f32
      %min3A_362 = vector.broadcast %min3A_361 : f32 to vector<16xf32>
      %min3A_363 = arith.minimumf %add3A_360, %min3A_362 : vector<16xf32>
      %mul3A_364 = arith.mulf %mul3A_269, %min3A_363 : vector<16xf32>
      %add3A_365 = arith.addf %mul3A_364, %mul3A_266 : vector<16xf32>
      %mul3A_366 = arith.mulf %add3A_365, %min3A_363 : vector<16xf32>
      %add3A_367 = arith.addf %mul3A_366, %mul3A_263 : vector<16xf32>
      %mul3A_368 = arith.mulf %add3A_367, %min3A_363 : vector<16xf32>
      %add3A_369 = arith.addf %mul3A_368, %mul3A_260 : vector<16xf32>
      %mul3A_370 = arith.mulf %add3A_369, %min3A_363 : vector<16xf32>
      %add3A_371 = arith.addf %mul3A_370, %mul3A_257 : vector<16xf32>
      %add3A_372 = arith.addi %gather3A_251, %get3A_46 : vector<16xi32>
      %sub3A_373 = arith.subf %get3A_60, %gather3A_252 : vector<16xf32>
      %sub3A_374 = arith.subf %get3A_74, %gather3A_253 : vector<16xf32>
      %mul3A_375 = arith.mulf %sub3A_373, %sub3A_373 : vector<16xf32>
      %mul3A_376 = arith.mulf %sub3A_374, %sub3A_374 : vector<16xf32>
      %add3A_377 = arith.addf %mul3A_375, %mul3A_376 : vector<16xf32>
      %min3A_378 = arith.constant 6.000000e+01 : f32
      %min3A_379 = vector.broadcast %min3A_378 : f32 to vector<16xf32>
      %min3A_380 = arith.minimumf %add3A_377, %min3A_379 : vector<16xf32>
      %mul3A_381 = arith.mulf %mul3A_269, %min3A_380 : vector<16xf32>
      %add3A_382 = arith.addf %mul3A_381, %mul3A_266 : vector<16xf32>
      %mul3A_383 = arith.mulf %add3A_382, %min3A_380 : vector<16xf32>
      %add3A_384 = arith.addf %mul3A_383, %mul3A_263 : vector<16xf32>
      %mul3A_385 = arith.mulf %add3A_384, %min3A_380 : vector<16xf32>
      %add3A_386 = arith.addf %mul3A_385, %mul3A_260 : vector<16xf32>
      %mul3A_387 = arith.mulf %add3A_386, %min3A_380 : vector<16xf32>
      %add3A_388 = arith.addf %mul3A_387, %mul3A_257 : vector<16xf32>
      %gather3A_389 = tpu.vector_load_idx %arg11[%add3A_129] : memref<70756xf32, #tpu.memory_space<vmem>>[vector<16xi32>], vector<16xf32>,
      %gather3A_390 = tpu.vector_load_idx %arg11[%add3A_146] : memref<70756xf32, #tpu.memory_space<vmem>>[vector<16xi32>], vector<16xf32>,
      %gather3A_391 = tpu.vector_load_idx %arg11[%add3A_163] : memref<70756xf32, #tpu.memory_space<vmem>>[vector<16xi32>], vector<16xf32>,
      %gather3A_392 = tpu.vector_load_idx %arg11[%add3A_180] : memref<70756xf32, #tpu.memory_space<vmem>>[vector<16xi32>], vector<16xf32>,
      %gather3A_393 = tpu.vector_load_idx %arg11[%add3A_197] : memref<70756xf32, #tpu.memory_space<vmem>>[vector<16xi32>], vector<16xf32>,
      %gather3A_394 = tpu.vector_load_idx %arg11[%add3A_214] : memref<70756xf32, #tpu.memory_space<vmem>>[vector<16xi32>], vector<16xf32>,
      %gather3A_395 = tpu.vector_load_idx %arg11[%add3A_231] : memref<70756xf32, #tpu.memory_space<vmem>>[vector<16xi32>], vector<16xf32>,
      %max3A = arith.maximumf %gather3A_389, %add3A_145 : vector<16xf32>
      tpu.vector_store_idx %arg11[%add3A_129], %max3A : memref<70756xf32, #tpu.memory_space<vmem>>[vector<16xi32>], vector<16xf32>,
      %max3A_396 = arith.maximumf %gather3A_390, %add3A_162 : vector<16xf32>
      tpu.vector_store_idx %arg11[%add3A_146], %max3A_396 : memref<70756xf32, #tpu.memory_space<vmem>>[vector<16xi32>], vector<16xf32>,
      %max3A_397 = arith.maximumf %gather3A_391, %add3A_179 : vector<16xf32>
      tpu.vector_store_idx %arg11[%add3A_163], %max3A_397 : memref<70756xf32, #tpu.memory_space<vmem>>[vector<16xi32>], vector<16xf32>,
      %max3A_398 = arith.maximumf %gather3A_392, %add3A_196 : vector<16xf32>
      tpu.vector_store_idx %arg11[%add3A_180], %max3A_398 : memref<70756xf32, #tpu.memory_space<vmem>>[vector<16xi32>], vector<16xf32>,
      %max3A_399 = arith.maximumf %gather3A_393, %add3A_213 : vector<16xf32>
      tpu.vector_store_idx %arg11[%add3A_197], %max3A_399 : memref<70756xf32, #tpu.memory_space<vmem>>[vector<16xi32>], vector<16xf32>,
      %max3A_400 = arith.maximumf %gather3A_394, %add3A_230 : vector<16xf32>
      tpu.vector_store_idx %arg11[%add3A_214], %max3A_400 : memref<70756xf32, #tpu.memory_space<vmem>>[vector<16xi32>], vector<16xf32>,
      %max3A_401 = arith.maximumf %gather3A_395, %add3A_247 : vector<16xf32>
      tpu.vector_store_idx %arg11[%add3A_231], %max3A_401 : memref<70756xf32, #tpu.memory_space<vmem>>[vector<16xi32>], vector<16xf32>,
      %gather3A_402 = tpu.vector_load_idx %arg11[%add3A_270] : memref<70756xf32, #tpu.memory_space<vmem>>[vector<16xi32>], vector<16xf32>,
      %gather3A_403 = tpu.vector_load_idx %arg11[%add3A_287] : memref<70756xf32, #tpu.memory_space<vmem>>[vector<16xi32>], vector<16xf32>,
      %gather3A_404 = tpu.vector_load_idx %arg11[%add3A_304] : memref<70756xf32, #tpu.memory_space<vmem>>[vector<16xi32>], vector<16xf32>,
      %gather3A_405 = tpu.vector_load_idx %arg11[%add3A_321] : memref<70756xf32, #tpu.memory_space<vmem>>[vector<16xi32>], vector<16xf32>,
      %gather3A_406 = tpu.vector_load_idx %arg11[%add3A_338] : memref<70756xf32, #tpu.memory_space<vmem>>[vector<16xi32>], vector<16xf32>,
      %gather3A_407 = tpu.vector_load_idx %arg11[%add3A_355] : memref<70756xf32, #tpu.memory_space<vmem>>[vector<16xi32>], vector<16xf32>,
      %gather3A_408 = tpu.vector_load_idx %arg11[%add3A_372] : memref<70756xf32, #tpu.memory_space<vmem>>[vector<16xi32>], vector<16xf32>,
      %max3A_409 = arith.maximumf %gather3A_402, %add3A_286 : vector<16xf32>
      tpu.vector_store_idx %arg11[%add3A_270], %max3A_409 : memref<70756xf32, #tpu.memory_space<vmem>>[vector<16xi32>], vector<16xf32>,
      %max3A_410 = arith.maximumf %gather3A_403, %add3A_303 : vector<16xf32>
      tpu.vector_store_idx %arg11[%add3A_287], %max3A_410 : memref<70756xf32, #tpu.memory_space<vmem>>[vector<16xi32>], vector<16xf32>,
      %max3A_411 = arith.maximumf %gather3A_404, %add3A_320 : vector<16xf32>
      tpu.vector_store_idx %arg11[%add3A_304], %max3A_411 : memref<70756xf32, #tpu.memory_space<vmem>>[vector<16xi32>], vector<16xf32>,
      %max3A_412 = arith.maximumf %gather3A_405, %add3A_337 : vector<16xf32>
      tpu.vector_store_idx %arg11[%add3A_321], %max3A_412 : memref<70756xf32, #tpu.memory_space<vmem>>[vector<16xi32>], vector<16xf32>,
      %max3A_413 = arith.maximumf %gather3A_406, %add3A_354 : vector<16xf32>
      tpu.vector_store_idx %arg11[%add3A_338], %max3A_413 : memref<70756xf32, #tpu.memory_space<vmem>>[vector<16xi32>], vector<16xf32>,
      %max3A_414 = arith.maximumf %gather3A_407, %add3A_371 : vector<16xf32>
      tpu.vector_store_idx %arg11[%add3A_355], %max3A_414 : memref<70756xf32, #tpu.memory_space<vmem>>[vector<16xi32>], vector<16xf32>,
      %max3A_415 = arith.maximumf %gather3A_408, %add3A_388 : vector<16xf32>
      tpu.vector_store_idx %arg11[%add3A_372], %max3A_415 : memref<70756xf32, #tpu.memory_space<vmem>>[vector<16xi32>], vector<16xf32>,
    }
    "tpu.region"() ({
      %run_scoped3A = tpu.sem_alloc : memref<!tpu.dma_semaphore, #tpu.memory_space<semaphore_mem>>
      %dma_start3A = arith.constant 0 : i32
      %dma_start3A_107 = tpu.memref_slice %arg10[%add3A, %dma_start3A] : memref<32x70756xf32, #tpu.memory_space<hbm>> -> memref<1x70756xf32, #tpu.memory_space<hbm>>
      %dma_start3A_108 = tpu.memref_squeeze %dma_start3A_107 : memref<1x70756xf32, #tpu.memory_space<hbm>> -> memref<70756xf32, #tpu.memory_space<hbm>>
      %dma_start3A_109 = arith.constant 0 : i32
      %dma_start3A_110 = tpu.memref_slice %arg10[%add3A, %dma_start3A_109] : memref<32x70756xf32, #tpu.memory_space<hbm>> -> memref<1x70756xf32, #tpu.memory_space<hbm>>
      %dma_start3A_111 = tpu.memref_squeeze %dma_start3A_110 : memref<1x70756xf32, #tpu.memory_space<hbm>> -> memref<70756xf32, #tpu.memory_space<hbm>>
      tpu.enqueue_dma source(%arg11 : memref<70756xf32, #tpu.memory_space<vmem>>) target(%dma_start3A_111 : memref<70756xf32, #tpu.memory_space<hbm>>) target_semaphore(%run_scoped3A : memref<!tpu.dma_semaphore, #tpu.memory_space<semaphore_mem>>)
      %dma_wait3A = arith.constant 0 : i32
      %dma_wait3A_112 = tpu.memref_slice %arg10[%add3A, %dma_wait3A] : memref<32x70756xf32, #tpu.memory_space<hbm>> -> memref<1x70756xf32, #tpu.memory_space<hbm>>
      %dma_wait3A_113 = tpu.memref_squeeze %dma_wait3A_112 : memref<1x70756xf32, #tpu.memory_space<hbm>> -> memref<70756xf32, #tpu.memory_space<hbm>>
      %dma_wait3A_114 = arith.constant 0 : i32
      %dma_wait3A_115 = tpu.memref_slice %arg10[%add3A, %dma_wait3A_114] : memref<32x70756xf32, #tpu.memory_space<hbm>> -> memref<1x70756xf32, #tpu.memory_space<hbm>>
      %dma_wait3A_116 = tpu.memref_squeeze %dma_wait3A_115 : memref<1x70756xf32, #tpu.memory_space<hbm>> -> memref<70756xf32, #tpu.memory_space<hbm>>
      tpu.wait_dma2 semaphore(%run_scoped3A : memref<!tpu.dma_semaphore, #tpu.memory_space<semaphore_mem>>) src(%arg11 : memref<70756xf32, #tpu.memory_space<vmem>>) dst(%dma_wait3A_116 : memref<70756xf32, #tpu.memory_space<hbm>>)
      tpu.yield
    }) : () -> ()
    return
  }
}

module attributes {stable_mosaic.version = 14 : i64} {
  func.func @_project_body(%arg0: memref<12xf32, #tpu.memory_space<smem>>, %arg1: memref<512x128xf32, #tpu.memory_space<vmem>>, %arg2: memref<512x128xf32, #tpu.memory_space<vmem>>, %arg3: memref<512x128xf32, #tpu.memory_space<vmem>>, %arg4: memref<512x128xi32, #tpu.memory_space<vmem>>, %arg5: memref<512x128xf32, #tpu.memory_space<vmem>>, %arg6: memref<512x128xf32, #tpu.memory_space<vmem>>, %arg7: memref<512x128xf32, #tpu.memory_space<vmem>>) attributes {dimension_semantics = [], scalar_prefetch = 0 : i64, scratch_operands = 0 : i64, tpu.core_type = #tpu.core_type<tc>} {
    %get3A = arith.constant 0 : index
    %get3A_0 = arith.constant 0 : index
    %get3A_1 = vector.load %arg1[%get3A, %get3A_0] : memref<512x128xf32, #tpu.memory_space<vmem>>, vector<512x128xf32>
    %convert_element_type3A = arith.truncf %get3A_1 : vector<512x128xf32> to vector<512x128xbf16>
    %convert_element_type3A_2 = arith.extf %convert_element_type3A : vector<512x128xbf16> to vector<512x128xf32>
    %get3A_3 = arith.constant 0 : index
    %get3A_4 = arith.constant 0 : index
    %get3A_5 = vector.load %arg2[%get3A_3, %get3A_4] : memref<512x128xf32, #tpu.memory_space<vmem>>, vector<512x128xf32>
    %convert_element_type3A_6 = arith.truncf %get3A_5 : vector<512x128xf32> to vector<512x128xbf16>
    %convert_element_type3A_7 = arith.extf %convert_element_type3A_6 : vector<512x128xbf16> to vector<512x128xf32>
    %get3A_8 = arith.constant 0 : index
    %get3A_9 = arith.constant 0 : index
    %get3A_10 = vector.load %arg3[%get3A_8, %get3A_9] : memref<512x128xf32, #tpu.memory_space<vmem>>, vector<512x128xf32>
    %convert_element_type3A_11 = arith.truncf %get3A_10 : vector<512x128xf32> to vector<512x128xbf16>
    %convert_element_type3A_12 = arith.extf %convert_element_type3A_11 : vector<512x128xbf16> to vector<512x128xf32>
    %get3A_13 = arith.constant 0 : index
    %get3A_14 = memref.load %arg0[%get3A_13] : memref<12xf32, #tpu.memory_space<smem>>
    %convert_element_type3A_15 = arith.truncf %get3A_14 : f32 to bf16
    %convert_element_type3A_16 = arith.extf %convert_element_type3A_15 : bf16 to f32
    %get3A_17 = arith.constant 1 : index
    %get3A_18 = memref.load %arg0[%get3A_17] : memref<12xf32, #tpu.memory_space<smem>>
    %convert_element_type3A_19 = arith.truncf %get3A_18 : f32 to bf16
    %convert_element_type3A_20 = arith.extf %convert_element_type3A_19 : bf16 to f32
    %get3A_21 = arith.constant 2 : index
    %get3A_22 = memref.load %arg0[%get3A_21] : memref<12xf32, #tpu.memory_space<smem>>
    %convert_element_type3A_23 = arith.truncf %get3A_22 : f32 to bf16
    %convert_element_type3A_24 = arith.extf %convert_element_type3A_23 : bf16 to f32
    %get3A_25 = arith.constant 3 : index
    %get3A_26 = memref.load %arg0[%get3A_25] : memref<12xf32, #tpu.memory_space<smem>>
    %convert_element_type3A_27 = arith.truncf %get3A_26 : f32 to bf16
    %convert_element_type3A_28 = arith.extf %convert_element_type3A_27 : bf16 to f32
    %get3A_29 = arith.constant 4 : index
    %get3A_30 = memref.load %arg0[%get3A_29] : memref<12xf32, #tpu.memory_space<smem>>
    %convert_element_type3A_31 = arith.truncf %get3A_30 : f32 to bf16
    %convert_element_type3A_32 = arith.extf %convert_element_type3A_31 : bf16 to f32
    %get3A_33 = arith.constant 5 : index
    %get3A_34 = memref.load %arg0[%get3A_33] : memref<12xf32, #tpu.memory_space<smem>>
    %convert_element_type3A_35 = arith.truncf %get3A_34 : f32 to bf16
    %convert_element_type3A_36 = arith.extf %convert_element_type3A_35 : bf16 to f32
    %get3A_37 = arith.constant 6 : index
    %get3A_38 = memref.load %arg0[%get3A_37] : memref<12xf32, #tpu.memory_space<smem>>
    %convert_element_type3A_39 = arith.truncf %get3A_38 : f32 to bf16
    %convert_element_type3A_40 = arith.extf %convert_element_type3A_39 : bf16 to f32
    %get3A_41 = arith.constant 7 : index
    %get3A_42 = memref.load %arg0[%get3A_41] : memref<12xf32, #tpu.memory_space<smem>>
    %convert_element_type3A_43 = arith.truncf %get3A_42 : f32 to bf16
    %convert_element_type3A_44 = arith.extf %convert_element_type3A_43 : bf16 to f32
    %get3A_45 = arith.constant 8 : index
    %get3A_46 = memref.load %arg0[%get3A_45] : memref<12xf32, #tpu.memory_space<smem>>
    %convert_element_type3A_47 = arith.truncf %get3A_46 : f32 to bf16
    %convert_element_type3A_48 = arith.extf %convert_element_type3A_47 : bf16 to f32
    %get3A_49 = arith.constant 9 : index
    %get3A_50 = memref.load %arg0[%get3A_49] : memref<12xf32, #tpu.memory_space<smem>>
    %convert_element_type3A_51 = arith.truncf %get3A_50 : f32 to bf16
    %convert_element_type3A_52 = arith.extf %convert_element_type3A_51 : bf16 to f32
    %get3A_53 = arith.constant 10 : index
    %get3A_54 = memref.load %arg0[%get3A_53] : memref<12xf32, #tpu.memory_space<smem>>
    %convert_element_type3A_55 = arith.truncf %get3A_54 : f32 to bf16
    %convert_element_type3A_56 = arith.extf %convert_element_type3A_55 : bf16 to f32
    %get3A_57 = arith.constant 11 : index
    %get3A_58 = memref.load %arg0[%get3A_57] : memref<12xf32, #tpu.memory_space<smem>>
    %convert_element_type3A_59 = arith.truncf %get3A_58 : f32 to bf16
    %convert_element_type3A_60 = arith.extf %convert_element_type3A_59 : bf16 to f32
    %mul3A = vector.broadcast %convert_element_type3A_16 : f32 to vector<512x128xf32>
    %mul3A_61 = arith.mulf %convert_element_type3A_2, %mul3A : vector<512x128xf32>
    %mul3A_62 = vector.broadcast %convert_element_type3A_20 : f32 to vector<512x128xf32>
    %mul3A_63 = arith.mulf %convert_element_type3A_7, %mul3A_62 : vector<512x128xf32>
    %add3A = arith.addf %mul3A_61, %mul3A_63 : vector<512x128xf32>
    %mul3A_64 = vector.broadcast %convert_element_type3A_24 : f32 to vector<512x128xf32>
    %mul3A_65 = arith.mulf %convert_element_type3A_12, %mul3A_64 : vector<512x128xf32>
    %add3A_66 = arith.addf %add3A, %mul3A_65 : vector<512x128xf32>
    %add3A_67 = vector.broadcast %convert_element_type3A_28 : f32 to vector<512x128xf32>
    %add3A_68 = arith.addf %add3A_66, %add3A_67 : vector<512x128xf32>
    %mul3A_69 = vector.broadcast %convert_element_type3A_32 : f32 to vector<512x128xf32>
    %mul3A_70 = arith.mulf %convert_element_type3A_2, %mul3A_69 : vector<512x128xf32>
    %mul3A_71 = vector.broadcast %convert_element_type3A_36 : f32 to vector<512x128xf32>
    %mul3A_72 = arith.mulf %convert_element_type3A_7, %mul3A_71 : vector<512x128xf32>
    %add3A_73 = arith.addf %mul3A_70, %mul3A_72 : vector<512x128xf32>
    %mul3A_74 = vector.broadcast %convert_element_type3A_40 : f32 to vector<512x128xf32>
    %mul3A_75 = arith.mulf %convert_element_type3A_12, %mul3A_74 : vector<512x128xf32>
    %add3A_76 = arith.addf %add3A_73, %mul3A_75 : vector<512x128xf32>
    %add3A_77 = vector.broadcast %convert_element_type3A_44 : f32 to vector<512x128xf32>
    %add3A_78 = arith.addf %add3A_76, %add3A_77 : vector<512x128xf32>
    %mul3A_79 = vector.broadcast %convert_element_type3A_48 : f32 to vector<512x128xf32>
    %mul3A_80 = arith.mulf %convert_element_type3A_2, %mul3A_79 : vector<512x128xf32>
    %mul3A_81 = vector.broadcast %convert_element_type3A_52 : f32 to vector<512x128xf32>
    %mul3A_82 = arith.mulf %convert_element_type3A_7, %mul3A_81 : vector<512x128xf32>
    %add3A_83 = arith.addf %mul3A_80, %mul3A_82 : vector<512x128xf32>
    %mul3A_84 = vector.broadcast %convert_element_type3A_56 : f32 to vector<512x128xf32>
    %mul3A_85 = arith.mulf %convert_element_type3A_12, %mul3A_84 : vector<512x128xf32>
    %add3A_86 = arith.addf %add3A_83, %mul3A_85 : vector<512x128xf32>
    %add3A_87 = vector.broadcast %convert_element_type3A_60 : f32 to vector<512x128xf32>
    %add3A_88 = arith.addf %add3A_86, %add3A_87 : vector<512x128xf32>
    %neg3A = arith.constant 0.000000e+00 : f32
    %neg3A_89 = vector.broadcast %neg3A : f32 to vector<512x128xf32>
    %neg3A_90 = arith.subf %neg3A_89, %add3A_78 : vector<512x128xf32>
    %add3A_91 = arith.constant 1.000000e+00 : f32
    %add3A_92 = vector.broadcast %add3A_91 : f32 to vector<512x128xf32>
    %add3A_93 = arith.addf %neg3A_90, %add3A_92 : vector<512x128xf32>
    %div3A = arith.constant 2.000000e+00 : f32
    %div3A_94 = vector.broadcast %div3A : f32 to vector<512x128xf32>
    %div3A_95 = arith.divf %add3A_93, %div3A_94 : vector<512x128xf32>
    %mul3A_96 = arith.constant 2.550000e+02 : f32
    %mul3A_97 = vector.broadcast %mul3A_96 : f32 to vector<512x128xf32>
    %mul3A_98 = arith.mulf %div3A_95, %mul3A_97 : vector<512x128xf32>
    %add3A_99 = arith.constant 1.000000e+00 : f32
    %add3A_100 = vector.broadcast %add3A_99 : f32 to vector<512x128xf32>
    %add3A_101 = arith.addf %add3A_68, %add3A_100 : vector<512x128xf32>
    %div3A_102 = arith.constant 2.000000e+00 : f32
    %div3A_103 = vector.broadcast %div3A_102 : f32 to vector<512x128xf32>
    %div3A_104 = arith.divf %add3A_101, %div3A_103 : vector<512x128xf32>
    %mul3A_105 = arith.constant 2.550000e+02 : f32
    %mul3A_106 = vector.broadcast %mul3A_105 : f32 to vector<512x128xf32>
    %mul3A_107 = arith.mulf %div3A_104, %mul3A_106 : vector<512x128xf32>
    %round3A = math.roundeven %mul3A_98 : vector<512x128xf32>
    %jit3A = arith.constant 0.000000e+00 : f32
    %jit3A_108 = arith.constant 2.550000e+02 : f32
    %max3A = vector.broadcast %jit3A : f32 to vector<512x128xf32>
    %max3A_109 = arith.maximumf %max3A, %round3A : vector<512x128xf32>
    %min3A = vector.broadcast %jit3A_108 : f32 to vector<512x128xf32>
    %min3A_110 = arith.minimumf %min3A, %max3A_109 : vector<512x128xf32>
    %round3A_111 = math.roundeven %mul3A_107 : vector<512x128xf32>
    %jit3A_112 = arith.constant 0.000000e+00 : f32
    %jit3A_113 = arith.constant 2.550000e+02 : f32
    %max3A_114 = vector.broadcast %jit3A_112 : f32 to vector<512x128xf32>
    %max3A_115 = arith.maximumf %max3A_114, %round3A_111 : vector<512x128xf32>
    %min3A_116 = vector.broadcast %jit3A_113 : f32 to vector<512x128xf32>
    %min3A_117 = arith.minimumf %min3A_116, %max3A_115 : vector<512x128xf32>
    %reduce_min3A = vector.shape_cast %add3A_88 : vector<512x128xf32> to vector<1x512x128xf32>
    %reduce_min3A_118 = arith.constant dense<0x7F800000> : vector<1xf32>
    %reduce_min3A_119 = vector.multi_reduction <minimumf>, %reduce_min3A, %reduce_min3A_118 [1, 2] : vector<1x512x128xf32> to vector<1xf32>
    %reduce_min3A_120 = vector.shape_cast %reduce_min3A_119 : vector<1xf32> to vector<1x1x1xf32>
    %reduce_min3A_121 = vector.extract %reduce_min3A_120[0, 0, 0] : f32 from vector<1x1x1xf32>
    %reduce_max3A = vector.shape_cast %add3A_88 : vector<512x128xf32> to vector<1x512x128xf32>
    %reduce_max3A_122 = arith.constant dense<0xFF800000> : vector<1xf32>
    %reduce_max3A_123 = vector.multi_reduction <maximumf>, %reduce_max3A, %reduce_max3A_122 [1, 2] : vector<1x512x128xf32> to vector<1xf32>
    %reduce_max3A_124 = vector.shape_cast %reduce_max3A_123 : vector<1xf32> to vector<1x1x1xf32>
    %reduce_max3A_125 = vector.extract %reduce_max3A_124[0, 0, 0] : f32 from vector<1x1x1xf32>
    %mul3A_126 = arith.constant 2.660000e+02 : f32
    %mul3A_127 = vector.broadcast %mul3A_126 : f32 to vector<512x128xf32>
    %mul3A_128 = arith.mulf %min3A_110, %mul3A_127 : vector<512x128xf32>
    %add3A_129 = arith.addf %mul3A_128, %min3A_117 : vector<512x128xf32>
    %convert_element_type3A_130 = arith.fptosi %add3A_129 : vector<512x128xf32> to vector<512x128xi32>
    %add3A_131 = arith.constant 1335 : i32
    %add3A_132 = vector.broadcast %add3A_131 : i32 to vector<512x128xi32>
    %add3A_133 = arith.addi %convert_element_type3A_130, %add3A_132 : vector<512x128xi32>
    %swap3A = arith.constant 0 : index
    %swap3A_134 = arith.constant 0 : index
    %swap3A_135 = vector.load %arg4[%swap3A, %swap3A_134] : memref<512x128xi32, #tpu.memory_space<vmem>>, vector<512x128xi32>
    tpu.vector_store %arg4[%swap3A, %swap3A_134], %add3A_133 {strides = array<i32>} : memref<512x128xi32, #tpu.memory_space<vmem>>, vector<512x128xi32>,
    %sub3A = arith.subf %mul3A_98, %min3A_110 : vector<512x128xf32>
    %swap3A_136 = arith.constant 0 : index
    %swap3A_137 = arith.constant 0 : index
    %swap3A_138 = vector.load %arg5[%swap3A_136, %swap3A_137] : memref<512x128xf32, #tpu.memory_space<vmem>>, vector<512x128xf32>
    tpu.vector_store %arg5[%swap3A_136, %swap3A_137], %sub3A {strides = array<i32>} : memref<512x128xf32, #tpu.memory_space<vmem>>, vector<512x128xf32>,
    %sub3A_139 = arith.subf %mul3A_107, %min3A_117 : vector<512x128xf32>
    %swap3A_140 = arith.constant 0 : index
    %swap3A_141 = arith.constant 0 : index
    %swap3A_142 = vector.load %arg6[%swap3A_140, %swap3A_141] : memref<512x128xf32, #tpu.memory_space<vmem>>, vector<512x128xf32>
    tpu.vector_store %arg6[%swap3A_140, %swap3A_141], %sub3A_139 {strides = array<i32>} : memref<512x128xf32, #tpu.memory_space<vmem>>, vector<512x128xf32>,
    %sub3A_143 = vector.broadcast %reduce_min3A_121 : f32 to vector<512x128xf32>
    %sub3A_144 = arith.subf %add3A_88, %sub3A_143 : vector<512x128xf32>
    %sub3A_145 = arith.subf %reduce_max3A_125, %reduce_min3A_121 : f32
    %div3A_146 = vector.broadcast %sub3A_145 : f32 to vector<512x128xf32>
    %div3A_147 = arith.divf %sub3A_144, %div3A_146 : vector<512x128xf32>
    %sub3A_148 = arith.constant 1.000000e+00 : f32
    %sub3A_149 = vector.broadcast %sub3A_148 : f32 to vector<512x128xf32>
    %sub3A_150 = arith.subf %sub3A_149, %div3A_147 : vector<512x128xf32>
    %swap3A_151 = arith.constant 0 : index
    %swap3A_152 = arith.constant 0 : index
    %swap3A_153 = vector.load %arg7[%swap3A_151, %swap3A_152] : memref<512x128xf32, #tpu.memory_space<vmem>>, vector<512x128xf32>
    tpu.vector_store %arg7[%swap3A_151, %swap3A_152], %sub3A_150 {strides = array<i32>} : memref<512x128xf32, #tpu.memory_space<vmem>>, vector<512x128xf32>,
    return
  }
}

module attributes {stable_mosaic.version = 14 : i64} {
  func.func @_merge_body(%arg0: i32, %arg1: memref<1x8x70756xf32, #tpu.memory_space<vmem>>, %arg2: memref<1x1x70756xf32, #tpu.memory_space<vmem>>) attributes {dimension_semantics = [#tpu.dimension_semantics<arbitrary>], iteration_bounds = array<i64: 4>, scalar_prefetch = 0 : i64, scratch_operands = 0 : i64, tpu.core_type = #tpu.core_type<tc>, window_params = [{transform_indices = @transform_0, window_bounds = array<i64: 1, 8, 70756>}, {transform_indices = @transform_1, window_bounds = array<i64: 1, 1, 70756>}]} {
    %get3A = arith.constant 0 : index
    %get3A_0 = arith.constant 0 : index
    %get3A_1 = arith.constant 0 : index
    %get3A_2 = vector.load %arg1[%get3A, %get3A_0, %get3A_1] : memref<1x8x70756xf32, #tpu.memory_space<vmem>>, vector<1x8x70756xf32>
    %reduce_max3A = arith.constant dense<0xFF800000> : vector<1x70756xf32>
    %reduce_max3A_3 = vector.multi_reduction <maximumf>, %get3A_2, %reduce_max3A [1] : vector<1x8x70756xf32> to vector<1x70756xf32>
    %broadcast_in_dim3A = vector.shape_cast %reduce_max3A_3 : vector<1x70756xf32> to vector<1x1x70756xf32>
    %max3A = arith.constant 0.000000e+00 : f32
    %max3A_4 = vector.broadcast %max3A : f32 to vector<1x1x70756xf32>
    %max3A_5 = arith.maximumf %broadcast_in_dim3A, %max3A_4 : vector<1x1x70756xf32>
    %swap3A = arith.constant 0 : index
    %swap3A_6 = arith.constant 0 : index
    %swap3A_7 = arith.constant 0 : index
    %swap3A_8 = vector.load %arg2[%swap3A, %swap3A_6, %swap3A_7] : memref<1x1x70756xf32, #tpu.memory_space<vmem>>, vector<1x1x70756xf32>
    tpu.vector_store %arg2[%swap3A, %swap3A_6, %swap3A_7], %max3A_5 {strides = array<i32>} : memref<1x1x70756xf32, #tpu.memory_space<vmem>>, vector<1x1x70756xf32>,
    return
  }
  func.func @transform_0(%arg0: i32) -> (i32, i32, i32) {
    %c0_i32 = arith.constant 0 : i32
    %c0_i32_0 = arith.constant 0 : i32
    %c0_i32_1 = arith.constant 0 : i32
    return %arg0, %c0_i32, %c0_i32_0 : i32, i32, i32
  }
  func.func @transform_1(%arg0: i32) -> (i32, i32, i32) {
    %c0_i32 = arith.constant 0 : i32
    %c0_i32_0 = arith.constant 0 : i32
    %c0_i32_1 = arith.constant 0 : i32
    return %arg0, %c0_i32, %c0_i32_0 : i32, i32, i32
  }
}

</mosaic_0001>

<sc_bundles>
// kernel: kernel.5.cloned.1.call-start
scs
__scs_entry_jumppad:
0x0: {  	(pc) =	sbr.rel $0x88, $3  }
0x1: {  	(tag) =	ssettag $0x0;
	lr =	simm.s32 $0x1  }
0x2: {  	[smem:$0x3F9F] =	sst lr;
	_ =	strace $0xD0000000  }
0x3: {  	_ = 	snop  }
0x4: {  	_ = 	snop  }
0x5: {  	_ = 	snop  }
0x6: {  	_ = 	snop  }
0x7: {  	_ = 	snop  }
__scs_overlays_trampoline_lowered:
0x8: {  	[smem:$0x3FAE] =	sst s0  }
0x9: {  	[smem:$0x3FAF] =	sst s1  }
0xa: {  	[smem:$0x3FB0] =	sst s2  }
0xb: {  	[smem:$0x3FB1] =	sst s3  }
0xc: {  	[smem:$0x3FB2] =	sst s4  }
0xd: {  	[smem:$0x3FB3] =	sst s5  }
0xe: {  	[smem:$0x3FB4] =	sst s6  }
0xf: {  	[smem:$0x3FB5] =	sst s7  }
0x10: {  	[smem:$0x3FB6] =	sst s8  }
0x11: {  	[smem:$0x3FB7] =	sst s9;
	s0 =	simm.s32 @!p0 $0x0  }
0x12: {  	s1 =	sld [smem:$0x3F9D];
	s0 =	simm.s32 @p0 $0x1  }
0x13: {  	[smem:$0x3FB8] =	sst s0;
	s0 =	simm.s32 @!p1 $0x0  }
0x14: {  	s2 =	sld [smem:$0x3F9C];
	s0 =	simm.s32 @p1 $0x1  }
0x15: {  	[smem:$0x3FB9] =	sst s0;
	s0 =	simm.s32 @!p2 $0x0  }
0x16: {  	s3 =	sld [smem:$0x3FDB];
	s0 =	simm.s32 @p2 $0x1  }
0x17: {  	s4 =	simm.s32 $0x1BF5;
	[smem:$0x3FBB] =	sst s0  }
0x18: {  	s0 =	sld [smem:$0x3F9E];
	_ =	swait.ge [sflag:s4], $0x0  }
0x19: {  	s7 =	sld [smem:$0x3F9F]  }
0x1a: {  	s8 =	sadd.s32 $0xFFFFE003, lr  }
0x1b: {  	s9 =	sadd.s32 $0xFFFFFEF7, lr;
	s5 =	simm.s32 $0xFFFFFFFF;
	p2 =	slt.u32 s8, $0xFFFFF086  }
0x1c: {  	p1 =	slt.u32 s9, $0xF7A;
	s5 =	simm.s32 @!p2 $0x0  }
0x1d: {  	s5 =	simm.s32 @p1 $0x1;
	p0 =	seq.s32 s7, s2  }
0x1e: {  	s7 =	smul.u32 @!p0 $0xF7A, s2;
	p2 =	seq.s32 @!p0 s5, $0x0  }
0x1f: {  	s9 =	smul.u32 $0xF7A, s1;
	s8 =	simm.s32 @!p0 $0x1BF5;
	p2 =	por !p2, p0  }
0x20: {  	[sflag:s8] =	ssyncset.s32 @!p0 $0xFFFFF086;
	s6 =	sadd.s32 @!p0 s3, s7;
	s7 =	simm.s32 @!p0 $0x108  }
0x21: {  	s3 =	sadd.s32 s3, s9;
	s6 =	sadd.s32 @!p0 $0x88, s6;
	s7 =	simm.s32 @p2 $0x1082  }
0x22: {  	[simem:s7], [sflag:s8] =	dma.local @!p0 [hbm:s6], $0xF7A  }
0x23: {  	s9 =	sor.u32 $0xD0000000, s2;
	s6 =	simm.s32 $0x108;
	_ =	swait.ge @!p0 [sflag:s8], $0x0  }
0x24: {  	s3 =	sadd.s32 $0x88, s3;
	s6 =	simm.s32 @!p1 $0x1082;
	[sflag:s4] =	ssyncset.s32 $0xFFFFF086  }
0x25: {  	[simem:s6], [sflag:s4] =	dma.local [hbm:s3], $0xF7A  }
0x26: {  	[smem:$0x3F9F] =	sst s1;
	(tag) =	ssettag s2;
	_ =	strace s9  }
0x27: {  	s1 =	sld [smem:$0x3FAF]  }
0x28: {  	s2 =	sld [smem:$0x3FB0]  }
0x29: {  	s4 =	sld [smem:$0x3FB2]  }
0x2a: {  	p0 =	seq.s32 s5, $0x0;
	s5 =	sld [smem:$0x3FB3]  }
0x2b: {  	s6 =	sld [smem:$0x3FB4]  }
0x2c: {  	s7 =	sld [smem:$0x3FB5]  }
0x2d: {  	s3 =	simm.s32 $0x108;
	s8 =	sld [smem:$0x3FB6]  }
0x2e: {  	s3 =	simm.s32 @!p0 $0x1082;
	s9 =	sld [smem:$0x3FB7]  }
0x2f: {  	lr =	sadd.s32 s0, s3;
	s0 =	sld [smem:$0x3FAE]  }
0x30: {  	s3 =	sld [smem:$0x3FB1]  }
0x31: {  	[smem:$0x3FBA] =	sst s10  }
0x32: {  	s10 =	sld [smem:$0x3FB8];
	_ =	sdelay $0x3  }
0x33: {  	p0 =	seq.s32 s10, $0x1;
	s10 =	sld [smem:$0x3FBA];
	_ =	sdelay $0x3  }
0x34: {  	[smem:$0x3FBA] =	sst s10  }
0x35: {  	s10 =	sld [smem:$0x3FB9];
	_ =	sdelay $0x3  }
0x36: {  	p1 =	seq.s32 s10, $0x1;
	s10 =	sld [smem:$0x3FBA];
	_ =	sdelay $0x3  }
0x37: {  	[smem:$0x3FBA] =	sst s10  }
0x38: {  	s10 =	sld [smem:$0x3FBB]  }
0x39: {  	_ = 	snop;
	(pc) =	sbr.ind lr, $3  }
0x3a: {  	_ = 	snop  }
0x3b: {  	_ = 	snop  }
0x3c: {  	p2 =	seq.s32 s10, $0x1;
	s10 =	sld [smem:$0x3FBA]  }
0x3d: {  	_ =	shalt  }
0x3e: {  	_ =	shalt  }
0x3f: {  	_ =	shalt  }
0x40: {  	_ =	shalt  }
0x41: {  	_ =	shalt  }
0x42: {  	_ =	shalt  }
0x43: {  	_ =	shalt  }
0x44: {  	_ =	shalt  }
0x45: {  	_ =	shalt  }
0x46: {  	_ =	shalt  }
0x47: {  	_ =	shalt  }
0x48: {  	_ =	shalt  }
0x49: {  	_ =	shalt  }
0x4a: {  	_ =	shalt  }
0x4b: {  	_ =	shalt  }
0x4c: {  	_ =	shalt  }
0x4d: {  	_ =	shalt  }
0x4e: {  	_ =	shalt  }
0x4f: {  	_ =	shalt  }
0x50: {  	_ =	shalt  }
0x51: {  	_ =	shalt  }
0x52: {  	_ =	shalt  }
0x53: {  	_ =	shalt  }
0x54: {  	_ =	shalt  }
0x55: {  	_ =	shalt  }
0x56: {  	_ =	shalt  }
0x57: {  	_ =	shalt  }
0x58: {  	_ =	shalt  }
0x59: {  	_ =	shalt  }
0x5a: {  	_ =	shalt  }
0x5b: {  	_ =	shalt  }
0x5c: {  	_ =	shalt  }
0x5d: {  	_ =	shalt  }
0x5e: {  	_ =	shalt  }
0x5f: {  	_ =	shalt  }
0x60: {  	_ =	shalt  }
0x61: {  	_ =	shalt  }
0x62: {  	_ =	shalt  }
0x63: {  	_ =	shalt  }
0x64: {  	_ =	shalt  }
0x65: {  	_ =	shalt  }
0x66: {  	_ =	shalt  }
0x67: {  	_ =	shalt  }
0x68: {  	_ =	shalt  }
0x69: {  	_ =	shalt  }
0x6a: {  	_ =	shalt  }
0x6b: {  	_ =	shalt  }
0x6c: {  	_ =	shalt  }
0x6d: {  	_ =	shalt  }
0x6e: {  	_ =	shalt  }
0x6f: {  	_ =	shalt  }
0x70: {  	_ =	shalt  }
0x71: {  	_ =	shalt  }
0x72: {  	_ =	shalt  }
0x73: {  	_ =	shalt  }
0x74: {  	_ =	shalt  }
0x75: {  	_ =	shalt  }
0x76: {  	_ =	shalt  }
0x77: {  	_ =	shalt  }
0x78: {  	_ =	shalt  }
0x79: {  	_ =	shalt  }
0x7a: {  	_ =	shalt  }
0x7b: {  	_ =	shalt  }
0x7c: {  	_ =	shalt  }
0x7d: {  	_ =	shalt  }
0x7e: {  	_ =	shalt  }
0x7f: {  	_ =	shalt  }
0x80: {  	_ =	shalt  }
0x81: {  	_ =	shalt  }
0x82: {  	_ =	shalt  }
0x83: {  	_ =	shalt  }
0x84: {  	_ =	shalt  }
0x85: {  	_ =	shalt  }
0x86: {  	_ =	shalt  }
0x87: {  	_ =	shalt  }
.Lfunc_end0:
.L_simem_size_0:
called_computation_lowered:
.L_overlay_start_0:
0x88: {  	s2 =	sld [smem:$0x3FD9]  }
0x89: {  	s3 =	sld [smem:$0x3FFE];
	_ =	sdelay $0x1  }
0x8a: {  	s1 =	srdreg.scid  }
0x8b: {  	s0 =	sand.u32 $0x1, s1  }
0x8c: {  	s17 =	sshll.u32 s0, $0xA;
	s2 =	sadd.s32 s3, s2  }
0x8d: {  	s2 =	sadd.s32 s2, s17  }
0x8e: {  	[smem:$0x3FC6] =	sst s2  }
0x8f: {  	_ = 	snop  }
0x90: {  	s2 =	sld [smem:$0x3FD0];
	(tm) =	ssettm $0x1  }
0x91: {  	s18 =	sld [smem:$0x3FFB];
	_ =	sdelay $0x3  }
0x92: {  	_ =	strace s18  }
0x93: {  	s3 =	sld [smem:$0x3FFC];
	_ =	sdelay $0x3  }
0x94: {  	_ =	strace s3  }
0x95: {  	s3 =	sld [smem:$0x3FFD];
	_ =	sdelay $0x3  }
0x96: {  	_ =	strace s3  }
0x97: {  	_ =	strace $0x8FFFFFFF  }
0x98: {  	s19 =	sld [smem:$0x3FDB];
	_ =	sdelay $0x1  }
0x99: {  	s4 =	simm.s32 $_scs_section_size  }
0x9a: {  	s5 =	simm.s32 $_size__tile_overlayer_lowered;
	s6 =	simm.s32 $_tile_overlayer_lowered  }
0x9b: {  	s22 =	simm.s32 $0x1BFF;
	s21 =	sshll.u32 s6, $0x1;
	s3 =	sadd.s32 s4, s19  }
0x9c: {  	s7 =	simm.s32 $0x0;
	s20 =	sshll.u32 s5, $0x1;
	s5 =	sadd.s32 s21, s3  }
0x9d: {  	[timem:s7], [sflag:s22] =	dma.local [hbm:s5], s20  }
0x9e: {  	_ =	swait.ge [sflag:s22], s20  }
0x9f: {  	s4 =	ssub.s32 $0x0, s20;
	[sflag:s22] =	ssyncset.done $0x0  }
0xa0: {  	[sflag:s22] =	ssyncadd.s32 s4;
	_ =	sdelay $0x1  }
0xa1: {  	s23 =	simm.s32 $0x1B8B  }
0xa2: {  	_ =	swait.ge [sflag:s23], $0x1  }
0xa3: {  	[sflag:s23] =	ssyncset.done $0x0  }
0xa4: {  	s25 =	simm.s32 $0x1B8E;
	s24 =	sld [smem:$0x3FFE];
	[sflag:s23] =	ssyncadd.s32 $0xFFFFFFFF  }
0xa5: {  	s26 =	simm.s32 $execute0_lowered;
	[smem:$0x3FD2] =	sst s25  }
0xa6: {  	s5 =	sshll.u32 s26, $0x1;
	_ =	strace $0x80000046;
	[dreg:$0x1] =	wrdreg $0xFFFFFFFF  }
0xa7: {  	s28 =	simm.s32 $_size_execute0_lowered;
	s3 =	sadd.s32 s3, s5;
	[dreg:$0x0] =	wrdreg $0x0  }
0xa8: {  	s5 =	sshll.u32 s28, $0x1;
	[dreg:$0x2] =	wrdreg s3  }
0xa9: {  	[dreg:$0x3] =	wrdreg s5  }
0xaa: {  	[dreg:$0x4] =	wrdreg $0xC0  }
0xab: {  	_ =	task [dreg:s7], $0x5FFFF  }
0xac: {  	[dreg:$0x1] =	wrdreg $0xFFFFFFFF  }
0xad: {  	[dreg:$0x0] =	wrdreg $0x60  }
0xae: {  	[dreg:$0x2] =	wrdreg s24  }
0xaf: {  	[dreg:$0x3] =	wrdreg s2  }
0xb0: {  	[dreg:$0x4] =	wrdreg $0x9  }
0xb1: {  	_ =	task.clear_ibuf [dreg:s7], $0x5FFFF;
	_ =	strace $0x90000046  }
0xb2: {  	s29 =	simm.s32 $0x9;
	_ =	strace $0x80000048  }
0xb3: {  	_ =	swait.ge [sflag:s29], $0x1  }
0xb4: {  	[sflag:s29] =	ssyncadd.s32 $0xFFFFFFFF  }
0xb5: {  	_ =	strace $0x90000048  }
0xb6: {  	_ =	sfence  }
0xb7: {  	s30 =	sld [smem:$0x0];
	_ =	sdelay $0x2  }
0xb8: {  	s31 =	sshll.u32 s1, $0xD;
	s1 =	sshrl.u32 s1, $0x2  }
0xb9: {  	s3 =	sand.u32 $0x4000, s31;
	s1 =	sadd.s32 s1, s30  }
0xba: {  	s0 =	sor.u32 s3, s0;
	s1 =	sshll.u32 s1, $0x11  }
0xbb: {  	s0 =	sor.u32 s1, s0  }
0xbc: {  	s0 =	sadd.s32 $0x8F2B, s0  }
0xbd: {  	[sflag:s0] =	ssyncadd.remote.s32 $0x1  }
0xbe: {  	_ =	sfence.sel $0xFFFF  }
0xbf: {  	[dreg:$0x0] =	wrdreg $0xFFFFFFFF;
	(pc) =	sbr.abs _section_cstart, $3  }
0xc0: {  	[dreg:$0x1] =	wrdreg $0xFFFFFFFF  }
0xc1: {  	_ =	task.clear_ibuf [dreg:s7], $0x2FFFF;
	_ =	strace $0x9FFFFFFF  }
0xc2: {  	(tm) =	ssettm $0x7FFFFFFF  }
0xc3: {  	_ =	shalt  }
tec
execute0_lowered:
.L_overlay_start_1:
0x0: {  	(tag) =	ssettag $0x1  }
0x1: {  	s7 =	rddreg [dreg:$0x0]  }
0x2: {  	s2 =	rddreg [dreg:$0x1]  }
0x3: {  	s4 =	srdreg.scid;
	s1 =	stileid.u32;
	s3 =	simm.s32 $0x0  }
0x4: {  	s14 =	simm.s32 $0x1;
	s15 =	simm.s32 $0x11C80;
	s16 =	simm.s32 $0x12480  }
0x5: {  	s17 =	simm.s32 $0x12C80;
	s18 =	simm.s32 $0x13480;
	s19 =	simm.s32 $0x13500  }
0x6: {  	s20 =	simm.s32 $0x13580;
	s21 =	simm.s32 $0x13600;
	s22 =	simm.s32 $0x13E00  }
0x7: {  	s23 =	simm.s32 $0x14600;
	s24 =	simm.s32 $0x14E00;
	s25 =	simm.s32 $0x80  }
0x8: {  	s26 =	simm.s32 $0x400;
	s28 =	simm.s32 $0x0;
	s5 =	sand.u32 $0x1, s4  }
0x9: {  	s29 =	sshll.u32 s1, $0x1;
	[smem:$0x7FF] =	sst s3;
	s6 =	sshrl.u32 s1, $0x2  }
0xa: {  	s4 =	sor.u32 s5, s29;
	s6 =	smul.u32 $0x8A400, s6;
	_ =	strace $0x80000047  }
0xb: {  	s31 =	ssub.s32 $0x2, s5;
	s8 =	sshll.u32 s4, $0x8;
	s4 =	sshll.u32 s4, $0x7  }
0xc: {  	s5 =	sadd.s32 $0x9600, s7;
	s11 =	sshrl.u32 s31, $0x1;
	s30 =	sand.u32 $0x380, s4  }
.Ltmp0:
0xd: {  	s10 =	sadd.s32 s8, s7;
	s6 =	sor.u32 s6, s30;
	(pc) =	sbr.rel .LBB2_1-.Ltmp0, $4  }
0xe: {  	s4 =	sadd.s32 $0x9800, s7;
	s13 =	ssub.s32 s31, s11;
	s9 =	sshrl.u32 s6, $0x3  }
0xf: {  	s8 =	sadd.s32 $0x1400, s10;
	s6 =	sadd.s32 $0x9400, s7;
	s12 =	sadd.s32 s9, s7  }
0x10: {  	s7 =	sadd.s32 $0x7400, s10;
	s9 =	sadd.s32 $0x3400, s10;
	s10 =	sadd.s32 $0x5400, s10  }
0x11: {  	vm0 =	vmxor vm0, vm0;
	vm1 =	vmmov $0x1;
	s11 =	sadd.s32 $0x9A00, s12;
	s12 =	smax.u32 s13, $0x1;
	s13 =	simm.s32 $0x11480  }
.LBB2_6:
0x12: {  	v0 =	vadd.f32 v45, v44  }
0x13: {  	v1 =	vadd.s32 v18, v48;
	v2 =	vmul.f32 v47, v47;
	v3 =	vadd.f32 v57, v19  }
0x14: {  	v4 =	vadd.s32 v20, v48;
	v5 =	vmul.f32 v46, v46;
	v6 =	vadd.f32 v58, v28  }
0x15: {  	v7 =	vmin.f32 v56, $6.000000000e+01;
	v8 =	vadd.s32 v23, v48;
	v10 =	vadd.s32 v22, v48  }
0x16: {  	v11 =	vadd.s32 v21, v48;
	v15 =	vmul.f32 $4.058712220e-04, v29;
	v16 =	vmul.f32 v52, v52  }
0x17: {  	v13 =	vadd.s32 v17, v48;
	v60 =	vmul.f32 v55, v55;
	v61 =	vmul.f32 v49, v49  }
0x18: {  	v62 =	vadd.f32 v41, v28;
	v63 =	vmul.f32 v40, v40;
	v14 =	vadd.s32 v14, v48  }
0x19: {  	v9 =	vmul.f32 v7, v43;
	v3 =	vmax.f32 v50, v3;
	v6 =	vmul.f32 v6, v34  }
0x1a: {  	v0 =	vmin.f32 v0, $6.000000000e+01;
	v5 =	vadd.f32 v5, v51;
	v17 =	vadd.f32 v60, v53  }
0x1b: {  	v16 =	vadd.f32 v16, v54;
	v18 =	vadd.f32 v61, v63;
	v20 =	vmul.f32 v62, v26  }
0x1c: {  	v2 =	vadd.f32 v2, v37;
	v12 =	vmul.f32 v0, v43;
	v9 =	vadd.f32 v9, v39  }
0x1d: {  	v6 =	vadd.f32 v6, v25;
	v5 =	vmin.f32 v5, $6.000000000e+01;
	v17 =	vmin.f32 v17, $6.000000000e+01  }
0x1e: {  	[tilespmem:v31+s3+$0x0] =	vst.idx.msk $0xffff, v38;
	v16 =	vmin.f32 v16, $6.000000000e+01;
	v20 =	vadd.f32 v20, v25;
	v2 =	vmin.f32 v2, $6.000000000e+01  }
0x1f: {  	[tilespmem:v32+s3+$0x0] =	vst.idx.msk $0xffff, v3;
	v18 =	vmin.f32 v18, $6.000000000e+01;
	v28 =	vmul.f32 v5, v43;
	v9 =	vmul.f32 v9, v7  }
0x20: {  	v12 =	vadd.f32 v12, v39;
	v37 =	vmul.f32 v16, v43;
	v38 =	vmul.f32 v2, v43  }
0x21: {  	v44 =	vmul.f32 v18, v43;
	v6 =	vmul.f32 v6, v34;
	v9 =	vadd.f32 v9, v15  }
0x22: {  	v34 =	vmul.f32 v17, v43;
	v12 =	vmul.f32 v12, v0;
	v22 =	vadd.f32 v28, v39  }
0x23: {  	v41 =	vadd.f32 v37, v39;
	v45 =	vadd.f32 v38, v39;
	v9 =	vmul.f32 v9, v7  }
0x24: {  	v40 =	vmul.f32 v20, v26;
	v6 =	vadd.f32 v6, v19;
	v21 =	vadd.f32 v34, v39  }
0x25: {  	v22 =	vmul.f32 v22, v5;
	v12 =	vadd.f32 v12, v15;
	v9 =	vadd.f32 v9, v35  }
0x26: {  	v3 =	vmul.f32 v41, v16;
	v47 =	vmul.f32 v45, v2;
	v6 =	vmax.f32 v42, v6  }
0x27: {  	v21 =	vmul.f32 v21, v17;
	v7 =	vmul.f32 v9, v7;
	v9 =	vadd.f32 v40, v19  }
0x28: {  	v42 =	vadd.f32 v22, v15;
	v12 =	vmul.f32 v12, v0;
	v3 =	vadd.f32 v3, v15  }
0x29: {  	v50 =	vadd.f32 v47, v15;
	v46 =	vadd.f32 v21, v15;
	v9 =	vmax.f32 v36, v9  }
0x2a: {  	v19 =	vadd.f32 v44, v39;
	v12 =	vadd.f32 v12, v35;
	[tilespmem:v24+s3+$0x0] =	vst.idx.msk $0xffff, v9  }
0x2b: {  	v49 =	vmul.f32 v42, v5;
	v48 =	vmul.f32 v46, v17;
	[tilespmem:v30+s3+$0x0] =	vst.idx.msk $0xffff, v6  }
0x2c: {  	v3 =	vmul.f32 v3, v16;
	v19 =	vmul.f32 v19, v18;
	[tilespmem:v27+s3+$0x0] =	vst.idx.msk $0xffff, v33  }
0x2d: {  	v20 =	vmul.f32 v50, v2;
	v7 =	vadd.f32 v7, v29;
	v6 =	vadd.f32 v48, v35;
	v52 =	vld.idx.msk [tilespmem:v11+s3+$0x0], $0xffff  }
0x2e: {  	v0 =	vmul.f32 v12, v0;
	v3 =	vadd.f32 v3, v35;
	v15 =	vadd.f32 v19, v15;
	v53 =	vld.idx.msk [tilespmem:v14+s3+$0x0], $0xffff  }
0x2f: {  	v55 =	vadd.f32 v20, v35;
	v9 =	vadd.f32 v49, v35;
	v54 =	vld.idx.msk [tilespmem:v13+s3+$0x0], $0xffff;
	v6 =	vmul.f32 v6, v17  }
0x30: {  	v0 =	vadd.f32 v0, v29;
	v3 =	vmul.f32 v3, v16;
	v51 =	vld.idx.msk [tilespmem:v4+s3+$0x0], $0xffff;
	v15 =	vmul.f32 v15, v18  }
0x31: {  	v2 =	vmul.f32 v55, v2;
	v5 =	vmul.f32 v9, v5;
	v57 =	vld.idx.msk [tilespmem:v1+s3+$0x0], $0xffff;
	v6 =	vadd.f32 v6, v29  }
0x32: {  	v56 =	vld.idx.msk [tilespmem:v8+s3+$0x0], $0xffff;
	v3 =	vadd.f32 v3, v29;
	v15 =	vadd.f32 v15, v35;
	v0 =	vmax.f32 v52, v0  }
0x33: {  	v58 =	vld.idx.msk [tilespmem:v10+s3+$0x0], $0xffff;
	v2 =	vadd.f32 v2, v29;
	v59 =	vmax.f32 v53, v6;
	[tilespmem:v11+s3+$0x0] =	vst.idx.msk $0xffff, v0  }
0x34: {  	v15 =	vmul.f32 v15, v18;
	v60 =	vmax.f32 v54, v7;
	[tilespmem:v14+s3+$0x0] =	vst.idx.msk $0xffff, v59  }
0x35: {  	v61 =	vadd.f32 v5, v29;
	v3 =	vmax.f32 v51, v3;
	[tilespmem:v13+s3+$0x0] =	vst.idx.msk $0xffff, v60  }
0x36: {  	v2 =	vmax.f32 v57, v2;
	v62 =	vadd.f32 v15, v29;
	[tilespmem:v4+s3+$0x0] =	vst.idx.msk $0xffff, v3  }
0x37: {  	v0 =	vmax.f32 v56, v61;
	[tilespmem:v1+s3+$0x0] =	vst.idx.msk $0xffff, v2  }
0x38: {  	v63 =	vmax.f32 v58, v62;
	[tilespmem:v8+s3+$0x0] =	vst.idx.msk $0xffff, v0  }
0x39: {  	[tilespmem:v10+s3+$0x0] =	vst.idx.msk $0xffff, v63  }
.LBB2_7:
0x3a: {  	s28 =	sadd.s32 $0x1, s28  }
0x3b: {  	p0 =	sne.s32 s28, s12  }
.Ltmp1:
0x3c: {  	_ = 	snop;
	(pc) =	sbr.rel @!p0 .LBB2_8-.Ltmp1, $4  }
0x3d: {  	[hbm4b:s11+s25] =	stream.strided.scatter [tilespmem:s3], [sflag:$0x1], $0x11480, s26, s25, $0x38;
	[tilespmem:$0x15600] =	vst v63  }
0x3e: {  	_ =	swait.ge [sflag:s14], $0x11480  }
0x3f: {  	[sflag:s14] =	ssyncset.done $0x0  }
0x40: {  	[sflag:s14] =	ssyncadd.s32 $0xFFFEEB80  }
.LBB2_1:
0x41: {  	[tilespmem:s13], [sflag:$0x1] =	stream.linear.gather [hbm4b:s7+s3], $0x800, $0x38;
	[tilespmem:$0x15600] =	vst v63  }
0x42: {  	_ =	swait.ge [sflag:s14], $0x800  }
0x43: {  	[sflag:s14] =	ssyncset.done $0x0  }
0x44: {  	[sflag:s14] =	ssyncadd.s32 $0xFFFFF800  }
0x45: {  	[tilespmem:s15], [sflag:$0x1] =	stream.linear.gather [hbm4b:s8+s3], $0x800, $0x38;
	[tilespmem:$0x15600] =	vst v63  }
0x46: {  	_ =	swait.ge [sflag:s14], $0x800  }
0x47: {  	[sflag:s14] =	ssyncset.done $0x0  }
0x48: {  	[sflag:s14] =	ssyncadd.s32 $0xFFFFF800  }
0x49: {  	[tilespmem:s16], [sflag:$0x1] =	stream.linear.gather [hbm4b:s9+s3], $0x800, $0x38;
	[tilespmem:$0x15600] =	vst v63  }
0x4a: {  	_ =	swait.ge [sflag:s14], $0x800  }
0x4b: {  	[sflag:s14] =	ssyncset.done $0x0  }
0x4c: {  	[sflag:s14] =	ssyncadd.s32 $0xFFFFF800  }
0x4d: {  	[tilespmem:s17], [sflag:$0x1] =	stream.linear.gather [hbm4b:s10+s3], $0x800, $0x38;
	[tilespmem:$0x15600] =	vst v63  }
0x4e: {  	_ =	swait.ge [sflag:s14], $0x800  }
0x4f: {  	[sflag:s14] =	ssyncset.done $0x0  }
0x50: {  	[sflag:s14] =	ssyncadd.s32 $0xFFFFF800  }
0x51: {  	[tilespmem:s18], [sflag:$0x1] =	stream.linear.gather [hbm4b:s4+s3], $0x80, $0x38;
	[tilespmem:$0x15600] =	vst v63  }
0x52: {  	_ =	swait.ge [sflag:s14], $0x80  }
0x53: {  	[sflag:s14] =	ssyncset.done $0x0  }
0x54: {  	[sflag:s14] =	ssyncadd.s32 $0xFFFFFF80  }
0x55: {  	[tilespmem:s19], [sflag:$0x1] =	stream.linear.gather [hbm4b:s5+s3], $0x80, $0x38;
	[tilespmem:$0x15600] =	vst v63  }
0x56: {  	_ =	swait.ge [sflag:s14], $0x80  }
0x57: {  	[sflag:s14] =	ssyncset.done $0x0  }
0x58: {  	[sflag:s14] =	ssyncadd.s32 $0xFFFFFF80  }
0x59: {  	[tilespmem:s20], [sflag:$0x1] =	stream.linear.gather [hbm4b:s6+s3], $0x80, $0x38;
	[tilespmem:$0x15600] =	vst v63  }
0x5a: {  	_ =	swait.ge [sflag:s14], $0x80  }
0x5b: {  	[sflag:s14] =	ssyncset.done $0x0  }
0x5c: {  	[sflag:s14] =	ssyncadd.s32 $0xFFFFFF80  }
0x5d: {  	[tilespmem:s3], [sflag:$0x1] =	stream.linear.gather [hbm4b:s2+s3], $0x11480, $0x38;
	[tilespmem:$0x15600] =	vst v63  }
0x5e: {  	_ =	swait.ge [sflag:s14], $0x11480  }
0x5f: {  	[sflag:s14] =	ssyncset.done $0x0  }
0x60: {  	s29 =	simm.s32 $0x0;
	[sflag:s14] =	ssyncadd.s32 $0xFFFEEB80  }
0x61: {  	v2 =	vld [tilespmem:s29+$0x12480]  }
0x62: {  	v3 =	vld [tilespmem:s29+$0x11C80];
	_ =	sdelay $0x4  }
0x63: {  	v4 =	vld [tilespmem:s29+$0x11480];
	v5 =	vmul.f32 v3, v3;
	v6 =	vmul.f32 v2, v2;
	_ =	sdelay $0x1  }
0x64: {  	vm2 =	vle.f32 v5, $2.500000000e+01;
	vm3 =	vle.f32 v6, $2.500000000e+01  }
0x65: {  	vm2 =	vmand vm2, vm3  }
0x66: {  	v5 =	vmpcnt.ones.xlane vm2  }
0x67: {  	[tilespmem:s3+$0x13600] =	vst.msk vm2, v4  }
0x68: {  	[tilespmem:s3+$0x13E00] =	vst.msk vm2, v3;
	v3 =	vxor.u32 $0x80000000, v5  }
0x69: {  	[tilespmem:s3+$0x14600] =	vst.msk vm2, v2;
	(xrf0) =	vmax.scan.msk.u32 $0xffff, v3  }
0x6a: {  	v2 =	vld [tilespmem:s29+$0x12C80];
	_ =	sdelay $0x4  }
0x6b: {  	[tilespmem:s3+$0x14E00] =	vst.msk vm2, v2;
	v2, _, _ =	vpop (xrf0)  }
0x6c: {  	(v2sf) =	vpush v2, $0xF;
	_ =	sdelay $0x1  }
0x6d: {  	s29 =	simm.s32 $0x10  }
0x6e: {  	v3 =	vld [tilespmem:s29+$0x11480]  }
0x6f: {  	s31 =	simm.s32 $0x80;
	s30 =	simm.s32 $0x0;
	v2 =	vld [tilespmem:s29+$0x12480]  }
.LBB2_2:
0x70: {  	p0 =	sne.s32 s31, $0x1FC0;
	v4 =	vld [tilespmem:s29+$0x11C80];
	_ =	sdelay $0x4  }
0x71: {  	v6 =	vmul.f32 v2, v2;
	v5 =	vmul.f32 v4, v4;
	_ =	sdelay $0x1  }
0x72: {  	vm3 =	vle.f32 v6, $2.500000000e+01;
	vm2 =	vle.f32 v5, $2.500000000e+01  }
0x73: {  	vm2 =	vmand vm2, vm3  }
0x74: {  	v5 =	vmpcnt.ones.xlane vm2  }
0x75: {  	s0 =	spop (v2sf)  }
0x76: {  	v5 =	vxor.u32 $0x80000000, v5;
	s0 =	sadd.s32 s0, s30  }
0x77: {  	(xrf0) =	vmax.scan.msk.u32 $0xffff, v5;
	s30 =	sadd.s32 $0x80000000, s0  }
0x78: {  	[tilespmem:s30+$0x13600] =	vst.msk vm2, v3  }
0x79: {  	[tilespmem:s30+$0x13E00] =	vst.msk vm2, v4  }
0x7a: {  	[tilespmem:s30+$0x14600] =	vst.msk vm2, v2  }
0x7b: {  	v2 =	vld [tilespmem:s29+$0x12C80];
	_ =	sdelay $0x1  }
0x7c: {  	v3, _, _ =	vpop (xrf0)  }
.Ltmp2:
0x7d: {  	(v2sf) =	vpush v3, $0xF;
	(pc) =	sbr.rel @p0 .LBB2_2-.Ltmp2, $4  }
0x7e: {  	_ = 	snop  }
0x7f: {  	s29 =	sshra.s32 s31, $0x2;
	[tilespmem:s30+$0x14E00] =	vst.msk vm2, v2  }
0x80: {  	v3 =	vld [tilespmem:s29+$0x11480]  }
0x81: {  	s31 =	sadd.s32 $0x40, s31;
	v2 =	vld [tilespmem:s29+$0x12480]  }
0x82: {  	v4 =	vld [tilespmem:s29+$0x11C80];
	_ =	sdelay $0x4  }
0x83: {  	v6 =	vmul.f32 v2, v2;
	v5 =	vmul.f32 v4, v4;
	_ =	sdelay $0x1  }
0x84: {  	vm3 =	vle.f32 v6, $2.500000000e+01;
	vm2 =	vle.f32 v5, $2.500000000e+01  }
0x85: {  	vm2 =	vmand vm2, vm3  }
0x86: {  	v61 =	vmpcnt.ones.xlane vm2;
	_ =	sdelay $0x1  }
0x87: {  	v5 =	vxor.u32 $0x80000000, v61  }
0x88: {  	(xrf0) =	vmax.scan.msk.u32 $0xffff, v5;
	_ =	sdelay $0x5  }
0x89: {  	v5, _, _ =	vpop (xrf0)  }
0x8a: {  	(v2sf) =	vpush v5, $0xF;
	_ =	sdelay $0xc  }
0x8b: {  	s0 =	spop (v2sf)  }
0x8c: {  	s0 =	sadd.s32 s0, s30  }
0x8d: {  	s0 =	sadd.s32 $0x80000000, s0;
	s30 =	spop (v2sf)  }
0x8e: {  	[tilespmem:s0+$0x13600] =	vst.msk vm2, v3;
	s30 =	sadd.s32 s30, s0  }
0x8f: {  	[tilespmem:s0+$0x13E00] =	vst.msk vm2, v4;
	s30 =	sadd.s32 $0x80000000, s30  }
0x90: {  	[tilespmem:s0+$0x14600] =	vst.msk vm2, v2;
	s31 =	sand.u32 $0x1, s30;
	p1 =	slt.s32 s30, $0x7FF  }
0x91: {  	vm3 =	vmmov vm0;
	v2 =	vld [tilespmem:s29+$0x12C80];
	s29 =	sadd.s32 $0x1, s30;
	p0 =	seq.s32 s31, $0x1;
	s31 =	smov.u32 s30  }
0x92: {  	vm3 =	vmneg @p0 vm3;
	s31 =	simm.s32 @!p1 $0x7FF;
	p0 =	slt.u32 s30, $0x7FFFFFFF;
	s30 =	simm.s32 $0x1  }
0x93: {  	v62 =	vmov s31;
	s30 =	simm.s32 @!p0 $0x0;
	s31 =	sshra.s32 s29, $0x1F  }
0x94: {  	s30 =	sadd.s32 s30, s31;
	s31 =	sand.u32 $0x1, s29  }
0x95: {  	p5 =	sne.s32 s30, $0x1;
	p6 =	seq.s32 s31, $0x1  }
0x96: {  	vm3 =	vmand vm3, vm1;
	s30 =	sshrl.u32 s29, $0x1F;
	p0 =	por !p5, !p6  }
0x97: {  	s31 =	sadd.s32 s30, s29;
	s29 =	simm.s32 $0x1;
	p0 =	por !p0, !p0  }
0x98: {  	[tilespmem:s0+$0x14E00] =	vst.msk vm2, v2;
	s0 =	sshra.s32 s31, $0x1;
	s29 =	simm.s32 @!p0 $0x0  }
0x99: {  	s30 =	ssub.s32 s0, s29  }
0x9a: {  	p0 =	slt.s32 s30, $0x1  }
.Ltmp3:
0x9b: {  	v0 =	vimm.s32 $0x537;
	(pc) =	sbr.rel @p0 .LBB2_7-.Ltmp3, $4  }
0x9c: {  	v63 =	vimm.f32 $0.0e+00;
	[tilespmem:v62+s21+$0x0] =	vst.idx.msk vm3, v0  }
0x9d: {  	[tilespmem:v62+s22+$0x0] =	vst.idx.msk vm3, v63  }
0x9e: {  	[tilespmem:v62+s23+$0x0] =	vst.idx.msk vm3, v63  }
0x9f: {  	[tilespmem:v62+s24+$0x0] =	vst.idx.msk vm3, v63  }
0xa0: {  	v5 =	vld [tilespmem:$0x13550]  }
0xa1: {  	s0 =	simm.s32 $0x0;
	v6 =	vld [tilespmem:$0x13580];
	s29 =	simm.s32 $0x1  }
0xa2: {  	v8 =	vld [tilespmem:$0x135E0];
	v2 =	vmov s0;
	v35 =	vmov s29  }
0xa3: {  	v9 =	vld [tilespmem:$0x135D0];
	v3 =	vand.u32 $0xFFFFFFFE, v2  }
0xa4: {  	v10 =	vld [tilespmem:$0x13540];
	v14 =	vbroadcast v3, $0x0  }
0xa5: {  	v11 =	vld [tilespmem:$0x135B0]  }
0xa6: {  	v2 =	vld [tilespmem:$0x13500]  }
0xa7: {  	v47 =	vld.idx.msk [tilespmem:v35+s22+$0x0], $0xffff  }
0xa8: {  	v3 =	vld [tilespmem:$0x13520]  }
0xa9: {  	v60 =	vld.idx.msk [tilespmem:v35+s23+$0x0], $0xffff  }
0xaa: {  	v20 =	vld.idx.msk [tilespmem:v14+s22+$0x0], $0xffff  }
0xab: {  	v17 =	vld.idx.msk [tilespmem:v14+s23+$0x0], $0xffff  }
0xac: {  	v7 =	vld [tilespmem:$0x135A0];
	v63 =	vsub.f32 v10, v47  }
0xad: {  	v19 =	vld.idx.msk [tilespmem:v14+s24+$0x0], $0xffff;
	v49 =	vsub.f32 v5, v47;
	v50 =	vsub.f32 v3, v47  }
0xae: {  	v4 =	vld [tilespmem:$0x13530];
	v46 =	vsub.f32 v9, v60;
	v52 =	vsub.f32 v11, v60  }
0xaf: {  	v13 =	vsub.f32 v2, v20;
	v18 =	vsub.f32 v5, v20  }
0xb0: {  	v12 =	vld [tilespmem:$0x13590];
	v15 =	vsub.f32 v6, v17;
	v21 =	vsub.f32 v8, v17  }
0xb1: {  	v51 =	vmul.f32 v49, v49;
	v16 =	vsub.f32 v7, v17;
	v23 =	vsub.f32 v9, v17  }
0xb2: {  	v24 =	vsub.f32 v3, v20;
	v27 =	vsub.f32 v11, v17;
	v36 =	vmul.f32 $2.353306220e-09, v19  }
0xb3: {  	v29 =	vsub.f32 v4, v20;
	v28 =	vmul.f32 $4.058712220e-04, v19;
	v39 =	vmul.f32 $-1.335262820e-06, v19  }
0xb4: {  	v37 =	vld.idx.msk [tilespmem:v14+s21+$0x0], $0xffff;
	v25 =	vsub.f32 v10, v20;
	v22 =	vmul.f32 v13, v13;
	v15 =	vmul.f32 v15, v15  }
0xb5: {  	v30 =	vsub.f32 v12, v17;
	v13 =	vld [tilespmem:$0x135C0];
	v27 =	vmul.f32 v27, v27;
	v14 =	vmul.f32 v29, v29  }
0xb6: {  	v26 =	vmul.f32 v16, v16;
	v24 =	vmul.f32 v24, v24;
	v22 =	vadd.f32 v15, v22;
	v15 =	vld [tilespmem:$0x13560]  }
0xb7: {  	v23 =	vmul.f32 v23, v23;
	v16 =	vld [tilespmem:$0x13510];
	v32 =	vmul.f32 v18, v18;
	v14 =	vadd.f32 v27, v14  }
0xb8: {  	v30 =	vmul.f32 v30, v30;
	v33 =	vmin.f32 v22, $6.000000000e+01;
	v22 =	vadd.f32 v26, v24  }
0xb9: {  	v21 =	vmul.f32 v21, v21;
	v23 =	vadd.f32 v23, v32;
	v43 =	vmin.f32 v14, $6.000000000e+01  }
0xba: {  	v14 =	vld [tilespmem:$0x13490];
	v26 =	vsub.f32 v13, v17;
	v34 =	vmin.f32 v22, $6.000000000e+01;
	v22 =	vmul.f32 v33, v36  }
0xbb: {  	v24 =	vmul.f32 v25, v25;
	v29 =	vsub.f32 v15, v20;
	v31 =	vmul.f32 v34, v36  }
0xbc: {  	v20 =	vsub.f32 v16, v20;
	v26 =	vmul.f32 v26, v26;
	v22 =	vadd.f32 v22, v39  }
0xbd: {  	v25 =	vmul.f32 $-4.934802280e-02, v19;
	v29 =	vmul.f32 v29, v29;
	v31 =	vadd.f32 v31, v39  }
0xbe: {  	v17 =	vld [tilespmem:$0x134A0];
	v26 =	vadd.f32 v26, v24;
	v38 =	vmul.f32 v20, v20;
	v22 =	vmul.f32 v22, v33  }
0xbf: {  	v59 =	vadd.s32 v14, v37;
	v27 =	vmul.f32 v31, v34;
	v21 =	vadd.f32 v21, v29  }
0xc0: {  	v20 =	vld [tilespmem:$0x134B0];
	v29 =	vadd.f32 v30, v38;
	v26 =	vmin.f32 v26, $6.000000000e+01;
	v22 =	vadd.f32 v22, v28  }
0xc1: {  	v30 =	vmul.f32 v26, v36;
	v27 =	vadd.f32 v27, v28;
	v42 =	vmin.f32 v21, $6.000000000e+01  }
0xc2: {  	v45 =	vmin.f32 v29, $6.000000000e+01;
	v29 =	vmul.f32 v43, v36;
	v21 =	vld [tilespmem:$0x13480];
	v22 =	vmul.f32 v22, v33  }
0xc3: {  	v31 =	vadd.s32 v17, v37;
	v40 =	vmul.f32 v42, v36;
	v41 =	vmul.f32 v45, v36  }
0xc4: {  	v27 =	vmul.f32 v27, v34;
	v29 =	vadd.f32 v29, v39;
	v53 =	vadd.f32 v22, v25  }
0xc5: {  	v32 =	vadd.s32 v20, v37;
	v22 =	vld [tilespmem:$0x134E0];
	v54 =	vadd.f32 v40, v39;
	v55 =	vadd.f32 v41, v39  }
0xc6: {  	v27 =	vadd.f32 v27, v25;
	v29 =	vmul.f32 v29, v43;
	v33 =	vmul.f32 v53, v33  }
0xc7: {  	v18 =	vld [tilespmem:$0x134C0];
	v56 =	vmul.f32 v54, v42;
	v57 =	vmul.f32 v55, v45;
	v55 =	vadd.s32 v21, v37  }
0xc8: {  	v41 =	vld.idx.msk [tilespmem:v31+s3+$0x0], $0xffff;
	v27 =	vmul.f32 v27, v34;
	v29 =	vadd.f32 v29, v28;
	v48 =	vadd.f32 v33, v19  }
0xc9: {  	v34 =	vmin.f32 v23, $6.000000000e+01;
	v23 =	vld [tilespmem:$0x134D0];
	v33 =	vadd.f32 v56, v28;
	v44 =	vadd.f32 v57, v28  }
0xca: {  	v54 =	vmul.f32 v34, v36;
	v58 =	vadd.f32 v27, v19;
	v27 =	vadd.s32 v22, v37  }
0xcb: {  	v36 =	vmul.f32 v29, v43;
	v29 =	vadd.f32 v30, v39;
	v30 =	vmul.f32 v33, v42  }
0xcc: {  	v49 =	vsub.f32 v8, v60;
	v24 =	vadd.s32 v18, v37;
	v62 =	vmul.f32 v44, v45  }
0xcd: {  	v38 =	vmax.f32 v41, v58;
	v41 =	vmul.f32 v29, v26;
	v57 =	vld.idx.msk [tilespmem:v55+s3+$0x0], $0xffff;
	v29 =	vadd.f32 v30, v25  }
0xce: {  	v40 =	vsub.f32 v15, v47;
	v56 =	vsub.f32 v4, v47;
	v58 =	vld.idx.msk [tilespmem:v59+s3+$0x0], $0xffff;
	v30 =	vadd.s32 v23, v37  }
0xcf: {  	v33 =	vadd.f32 v62, v25;
	v53 =	vld.idx.msk [tilespmem:v27+s3+$0x0], $0xffff;
	v29 =	vmul.f32 v29, v42;
	v42 =	vsub.f32 v2, v47  }
0xd0: {  	v1 =	vadd.f32 v54, v39;
	v37 =	vmul.f32 v63, v63;
	v63 =	vmul.f32 v50, v50;
	v50 =	vld.idx.msk [tilespmem:v32+s3+$0x0], $0xffff  }
0xd1: {  	v62 =	vadd.f32 v36, v25;
	v36 =	vld.idx.msk [tilespmem:v24+s3+$0x0], $0xffff;
	v44 =	vmul.f32 v42, v42;
	v42 =	vmul.f32 v33, v45  }
0xd2: {  	v54 =	vmul.f32 v56, v56;
	v61 =	vadd.f32 v29, v19;
	v29 =	vld.idx.msk [tilespmem:v35+s24+$0x0], $0xffff;
	v45 =	vsub.f32 v16, v47  }
0xd3: {  	p0 =	sne.s32 s30, $0x1;
	v47 =	vsub.f32 v6, v60;
	v57 =	vmax.f32 v57, v48;
	v48 =	vld.idx.msk [tilespmem:v35+s21+$0x0], $0xffff;
	v0 =	vadd.f32 v42, v19  }
.Ltmp4:
0xd4: {  	v42 =	vld.idx.msk [tilespmem:v30+s3+$0x0], $0xffff;
	[tilespmem:v55+s3+$0x0] =	vst.idx.msk $0xffff, v57;
	v33 =	vmax.f32 v53, v61;
	v61 =	vsub.f32 v7, v60;
	(pc) =	sbr.rel @!p0 .LBB2_6-.Ltmp4, $4  }
0xd5: {  	v57 =	vmul.f32 v62, v43;
	v55 =	vsub.f32 v12, v60;
	v53 =	vmul.f32 v45, v45  }
0xd6: {  	v45 =	vmul.f32 v47, v47;
	v47 =	vsub.f32 v13, v60;
	v61 =	vmul.f32 v61, v61  }
0xd7: {  	v0 =	vmax.f32 v58, v0;
	v58 =	vmul.f32 v1, v34;
	v39 =	vmul.f32 $-1.335262820e-06, v29  }
0xd8: {  	s30 =	sadd.s32 $0xFFFFFFFF, s30;
	v43 =	vmul.f32 $2.353306220e-09, v29;
	v35 =	vmul.f32 $-4.934802280e-02, v29;
	[tilespmem:v59+s3+$0x0] =	vst.idx.msk $0xffff, v0;
	v56 =	vadd.f32 v61, v63  }
.LBB2_5:
0xd9: {  	p0 =	sne.s32 s30, $0x1;
	s30 =	sadd.s32 $0xFFFFFFFF, s30;
	v0 =	vadd.f32 v45, v44;
	v44 =	vadd.s32 v18, v48;
	v1 =	vmul.f32 v47, v47;
	s29 =	sadd.s32 $0x2, s29  }
0xda: {  	v57 =	vadd.f32 v57, v19;
	v45 =	vadd.s32 v20, v48;
	v59 =	vmul.f32 v46, v46  }
0xdb: {  	v58 =	vadd.f32 v58, v28;
	v56 =	vmin.f32 v56, $6.000000000e+01;
	v46 =	vadd.s32 v23, v48  }
0xdc: {  	v47 =	vadd.s32 v22, v48;
	v60 =	vmul.f32 v56, v43;
	v57 =	vmax.f32 v50, v57  }
0xdd: {  	v58 =	vmul.f32 v58, v34;
	v50 =	vadd.s32 v21, v48;
	v0 =	vmin.f32 v0, $6.000000000e+01;
	[tilespmem:v31+s3+$0x0] =	vst.idx.msk $0xffff, v38  }
0xde: {  	v60 =	vadd.f32 v60, v39;
	v38 =	vmul.f32 v0, v43;
	v31 =	vadd.s32 v17, v48  }
0xdf: {  	v61 =	vmul.f32 $4.058712220e-04, v29;
	v52 =	vmul.f32 v52, v52;
	v51 =	vadd.f32 v59, v51;
	[tilespmem:v32+s3+$0x0] =	vst.idx.msk $0xffff, v57  }
0xe0: {  	v55 =	vmul.f32 v55, v55;
	v49 =	vmul.f32 v49, v49;
	v32 =	vadd.f32 v58, v25  }
0xe1: {  	v28 =	vadd.f32 v41, v28;
	v40 =	vmul.f32 v40, v40;
	v41 =	vmin.f32 v51, $6.000000000e+01  }
0xe2: {  	v51 =	vadd.f32 v55, v53;
	v53 =	vmul.f32 v41, v43;
	v38 =	vadd.f32 v38, v39  }
0xe3: {  	v52 =	vadd.f32 v52, v54;
	v40 =	vadd.f32 v49, v40;
	v55 =	vmul.f32 v60, v56  }
0xe4: {  	v28 =	vmul.f32 v28, v26;
	v32 =	vmul.f32 v32, v34;
	v34 =	vmin.f32 v51, $6.000000000e+01  }
0xe5: {  	v52 =	vmin.f32 v52, $6.000000000e+01;
	v51 =	vadd.f32 v55, v61;
	v49 =	vmul.f32 v34, v43  }
0xe6: {  	v1 =	vadd.f32 v1, v37;
	v38 =	vmul.f32 v38, v0;
	v32 =	vadd.f32 v32, v19  }
0xe7: {  	v25 =	vadd.f32 v28, v25;
	v28 =	vadd.s32 v14, v48;
	v37 =	vmul.f32 v51, v56  }
0xe8: {  	v1 =	vmin.f32 v1, $6.000000000e+01;
	v48 =	vadd.f32 v49, v39;
	v49 =	vadd.f32 v53, v39  }
0xe9: {  	v51 =	vmul.f32 v52, v43;
	v37 =	vadd.f32 v37, v35;
	v32 =	vmax.f32 v42, v32  }
0xea: {  	v42 =	vmul.f32 v1, v43;
	v49 =	vmul.f32 v49, v41  }
0xeb: {  	v38 =	vadd.f32 v38, v61;
	v51 =	vadd.f32 v51, v39;
	v37 =	vmul.f32 v37, v56  }
0xec: {  	v40 =	vmin.f32 v40, $6.000000000e+01;
	v25 =	vmul.f32 v25, v26;
	v26 =	vadd.f32 v49, v61  }
0xed: {  	v38 =	vmul.f32 v38, v0;
	v49 =	vmul.f32 v51, v52;
	v37 =	vadd.f32 v37, v29  }
0xee: {  	v19 =	vadd.f32 v25, v19;
	v25 =	vadd.f32 v42, v39;
	v42 =	vmul.f32 v40, v43  }
0xef: {  	v38 =	vadd.f32 v38, v35;
	v43 =	vadd.f32 v49, v61;
	v26 =	vmul.f32 v26, v41  }
0xf0: {  	v19 =	vmax.f32 v36, v19;
	v25 =	vmul.f32 v25, v1;
	v39 =	vadd.f32 v42, v39  }
0xf1: {  	v36 =	vmul.f32 v48, v34;
	v0 =	vmul.f32 v38, v0;
	v26 =	vadd.f32 v26, v35  }
0xf2: {  	v39 =	vmul.f32 v39, v40;
	v38 =	vmul.f32 v43, v52;
	[tilespmem:v24+s3+$0x0] =	vst.idx.msk $0xffff, v19  }
0xf3: {  	v0 =	vadd.f32 v0, v29;
	v19 =	vadd.f32 v25, v61;
	v24 =	vmul.f32 v26, v41  }
0xf4: {  	v25 =	vadd.f32 v36, v61;
	v26 =	vadd.f32 v39, v61;
	[tilespmem:v30+s3+$0x0] =	vst.idx.msk $0xffff, v32  }
0xf5: {  	v19 =	vmul.f32 v19, v1;
	v24 =	vadd.f32 v24, v29;
	[tilespmem:v27+s3+$0x0] =	vst.idx.msk $0xffff, v33  }
0xf6: {  	v25 =	vmul.f32 v25, v34;
	v26 =	vmul.f32 v26, v40;
	v27 =	vadd.f32 v38, v35;
	v30 =	vld.idx.msk [tilespmem:v45+s3+$0x0], $0xffff  }
0xf7: {  	v19 =	vadd.f32 v19, v35;
	v32 =	vld.idx.msk [tilespmem:v31+s3+$0x0], $0xffff  }
0xf8: {  	v25 =	vadd.f32 v25, v35;
	v26 =	vadd.f32 v26, v35;
	v33 =	vld.idx.msk [tilespmem:v50+s3+$0x0], $0xffff  }
0xf9: {  	v1 =	vmul.f32 v19, v1;
	v19 =	vld.idx.msk [tilespmem:v28+s3+$0x0], $0xffff  }
0xfa: {  	v27 =	vmul.f32 v27, v52;
	v26 =	vmul.f32 v26, v40;
	v35 =	vld.idx.msk [tilespmem:v46+s3+$0x0], $0xffff  }
0xfb: {  	v25 =	vmul.f32 v25, v34;
	v1 =	vadd.f32 v1, v29;
	v34 =	vld.idx.msk [tilespmem:v44+s3+$0x0], $0xffff  }
0xfc: {  	v27 =	vadd.f32 v27, v29  }
0xfd: {  	s0 =	sadd.s32 $0xFFFFFFFF, s29;
	v25 =	vadd.f32 v25, v29;
	v26 =	vadd.f32 v26, v29;
	v32 =	vmax.f32 v32, v37;
	v29 =	vld.idx.msk [tilespmem:v47+s3+$0x0], $0xffff  }
0xfe: {  	v36 =	vmov s0;
	v27 =	vmax.f32 v30, v27;
	v0 =	vmax.f32 v33, v0  }
0xff: {  	v30 =	vand.u32 $0xFFFFFFFE, v36;
	[tilespmem:v50+s3+$0x0] =	vst.idx.msk $0xffff, v0;
	v0 =	vmax.f32 v19, v25  }
0x100: {  	v30 =	vbroadcast v30, $0x0;
	[tilespmem:v28+s3+$0x0] =	vst.idx.msk $0xffff, v0;
	v0 =	vmax.f32 v35, v24  }
0x101: {  	v1 =	vmax.f32 v34, v1;
	[tilespmem:v31+s3+$0x0] =	vst.idx.msk $0xffff, v32  }
0x102: {  	[tilespmem:v45+s3+$0x0] =	vst.idx.msk $0xffff, v27  }
0x103: {  	[tilespmem:v44+s3+$0x0] =	vst.idx.msk $0xffff, v1;
	v1 =	vmax.f32 v29, v26  }
0x104: {  	[tilespmem:v46+s3+$0x0] =	vst.idx.msk $0xffff, v0  }
0x105: {  	[tilespmem:v47+s3+$0x0] =	vst.idx.msk $0xffff, v1  }
0x106: {  	v0 =	vld.idx.msk [tilespmem:v30+s22+$0x0], $0xffff  }
0x107: {  	v1 =	vld.idx.msk [tilespmem:v30+s23+$0x0], $0xffff;
	_ =	sdelay $0x4  }
0x108: {  	v24 =	vsub.f32 v2, v0;
	v25 =	vsub.f32 v5, v0;
	v19 =	vld.idx.msk [tilespmem:v30+s24+$0x0], $0xffff  }
0x109: {  	v35 =	vmov s29;
	v26 =	vsub.f32 v6, v1;
	v27 =	vsub.f32 v8, v1  }
0x10a: {  	v28 =	vsub.f32 v7, v1;
	v29 =	vsub.f32 v9, v1;
	v24 =	vmul.f32 v24, v24  }
0x10b: {  	v31 =	vsub.f32 v3, v0;
	v32 =	vsub.f32 v10, v0;
	v26 =	vmul.f32 v26, v26  }
0x10c: {  	v33 =	vsub.f32 v11, v1;
	v28 =	vmul.f32 v28, v28;
	v29 =	vmul.f32 v29, v29  }
0x10d: {  	v24 =	vadd.f32 v26, v24;
	v26 =	vmul.f32 v31, v31;
	v31 =	vsub.f32 v4, v0  }
0x10e: {  	v34 =	vsub.f32 v12, v1;
	v36 =	vmul.f32 v25, v25;
	v33 =	vmul.f32 v33, v33  }
0x10f: {  	v37 =	vmin.f32 v24, $6.000000000e+01;
	v24 =	vadd.f32 v28, v26;
	v26 =	vmul.f32 v32, v32  }
0x110: {  	v1 =	vsub.f32 v13, v1;
	v25 =	vmul.f32 $-4.934802280e-02, v19;
	v38 =	vmul.f32 $2.353306220e-09, v19  }
0x111: {  	v39 =	vmul.f32 $-1.335262820e-06, v19;
	v28 =	vmul.f32 $4.058712220e-04, v19;
	v40 =	vmin.f32 v24, $6.000000000e+01;
	v30 =	vld.idx.msk [tilespmem:v30+s21+$0x0], $0xffff  }
0x112: {  	v31 =	vmul.f32 v31, v31;
	v32 =	vsub.f32 v15, v0;
	v24 =	vmul.f32 v37, v38  }
0x113: {  	v1 =	vmul.f32 v1, v1;
	v0 =	vsub.f32 v16, v0;
	v41 =	vmul.f32 v40, v38  }
0x114: {  	v34 =	vmul.f32 v34, v34;
	v32 =	vmul.f32 v32, v32;
	v24 =	vadd.f32 v24, v39  }
0x115: {  	v1 =	vadd.f32 v1, v26;
	v26 =	vmul.f32 v27, v27;
	v41 =	vadd.f32 v41, v39  }
0x116: {  	v0 =	vmul.f32 v0, v0;
	v33 =	vadd.f32 v33, v31;
	v27 =	vmul.f32 v24, v37  }
0x117: {  	v32 =	vadd.f32 v26, v32;
	v41 =	vmul.f32 v41, v40;
	v24 =	vadd.s32 v18, v30  }
0x118: {  	v0 =	vadd.f32 v34, v0;
	v27 =	vadd.f32 v27, v28;
	v31 =	vadd.s32 v17, v30  }
0x119: {  	v43 =	vmin.f32 v33, $6.000000000e+01;
	v26 =	vmin.f32 v1, $6.000000000e+01;
	v34 =	vadd.f32 v41, v28  }
0x11a: {  	v33 =	vmul.f32 v26, v38;
	v42 =	vmin.f32 v32, $6.000000000e+01;
	v1 =	vmul.f32 v27, v37  }
0x11b: {  	v29 =	vadd.f32 v29, v36;
	v0 =	vmin.f32 v0, $6.000000000e+01;
	v27 =	vmul.f32 v34, v40  }
0x11c: {  	v36 =	vmul.f32 v42, v38;
	v34 =	vmul.f32 v43, v38;
	v1 =	vadd.f32 v1, v25  }
0x11d: {  	v32 =	vadd.s32 v20, v30;
	v41 =	vmul.f32 v0, v38;
	v27 =	vadd.f32 v27, v25  }
0x11e: {  	v36 =	vadd.f32 v36, v39;
	v34 =	vadd.f32 v34, v39;
	v1 =	vmul.f32 v1, v37;
	v37 =	vld.idx.msk [tilespmem:v31+s3+$0x0], $0xffff  }
0x11f: {  	v59 =	vadd.s32 v14, v30;
	v41 =	vadd.f32 v41, v39;
	v27 =	vmul.f32 v27, v40;
	v45 =	vld.idx.msk [tilespmem:v35+s22+$0x0], $0xffff  }
0x120: {  	v36 =	vmul.f32 v36, v42;
	v40 =	vmul.f32 v34, v43;
	v1 =	vadd.f32 v1, v19  }
0x121: {  	v41 =	vmul.f32 v41, v0;
	v34 =	vmin.f32 v29, $6.000000000e+01;
	v44 =	vadd.f32 v27, v19  }
0x122: {  	v36 =	vadd.f32 v36, v28;
	v29 =	vadd.f32 v40, v28;
	v27 =	vadd.s32 v22, v30;
	v50 =	vld.idx.msk [tilespmem:v32+s3+$0x0], $0xffff  }
0x123: {  	v47 =	vadd.s32 v21, v30;
	v54 =	vmul.f32 v34, v38;
	v40 =	vadd.f32 v41, v28;
	v55 =	vld.idx.msk [tilespmem:v35+s23+$0x0], $0xffff  }
0x124: {  	v48 =	vmul.f32 v29, v43;
	v29 =	vadd.f32 v33, v39;
	v38 =	vmax.f32 v37, v44  }
0x125: {  	v36 =	vmul.f32 v36, v42;
	v33 =	vmul.f32 v40, v0;
	v40 =	vsub.f32 v15, v45;
	v56 =	vld.idx.msk [tilespmem:v59+s3+$0x0], $0xffff  }
0x126: {  	v37 =	vsub.f32 v10, v45;
	v44 =	vsub.f32 v5, v45  }
0x127: {  	v41 =	vmul.f32 v29, v26;
	v29 =	vadd.f32 v36, v25;
	v57 =	vsub.f32 v4, v45;
	v53 =	vld.idx.msk [tilespmem:v27+s3+$0x0], $0xffff  }
0x128: {  	v30 =	vadd.s32 v23, v30;
	v58 =	vsub.f32 v3, v45;
	v37 =	vmul.f32 v37, v37;
	v60 =	vld.idx.msk [tilespmem:v47+s3+$0x0], $0xffff  }
0x129: {  	v36 =	vsub.f32 v2, v45;
	v29 =	vmul.f32 v29, v42;
	v46 =	vsub.f32 v9, v55  }
0x12a: {  	v33 =	vadd.f32 v33, v25;
	v51 =	vmul.f32 v44, v44;
	v49 =	vsub.f32 v8, v55  }
0x12b: {  	v44 =	vmul.f32 v36, v36;
	v61 =	vadd.f32 v29, v19;
	v52 =	vsub.f32 v11, v55;
	v29 =	vld.idx.msk [tilespmem:v35+s24+$0x0], $0xffff  }
0x12c: {  	v62 =	vadd.f32 v48, v25;
	v45 =	vsub.f32 v16, v45;
	v0 =	vmul.f32 v33, v0;
	v36 =	vld.idx.msk [tilespmem:v24+s3+$0x0], $0xffff  }
0x12d: {  	v58 =	vmul.f32 v58, v58;
	v63 =	vsub.f32 v6, v55;
	v33 =	vmax.f32 v53, v61;
	v42 =	vld.idx.msk [tilespmem:v30+s3+$0x0], $0xffff  }
0x12e: {  	v53 =	vmul.f32 v45, v45;
	v1 =	vmax.f32 v60, v1;
	v48 =	vld.idx.msk [tilespmem:v35+s21+$0x0], $0xffff;
	v35 =	vsub.f32 v7, v55  }
.Ltmp5:
0x12f: {  	v0 =	vadd.f32 v0, v19;
	v60 =	vadd.f32 v54, v39;
	[tilespmem:v47+s3+$0x0] =	vst.idx.msk $0xffff, v1;
	(pc) =	sbr.rel @p0 .LBB2_5-.Ltmp5, $4  }
0x130: {  	v45 =	vmul.f32 v63, v63;
	v47 =	vsub.f32 v13, v55;
	v1 =	vmul.f32 v35, v35  }
0x131: {  	v0 =	vmax.f32 v56, v0;
	v54 =	vmul.f32 v57, v57;
	v39 =	vmul.f32 $-1.335262820e-06, v29  }
0x132: {  	v57 =	vmul.f32 v62, v43;
	v43 =	vmul.f32 $2.353306220e-09, v29;
	v56 =	vadd.f32 v1, v58  }
0x133: {  	v55 =	vsub.f32 v12, v55;
	v35 =	vmul.f32 $-4.934802280e-02, v29;
	v58 =	vmul.f32 v60, v34;
	[tilespmem:v59+s3+$0x0] =	vst.idx.msk $0xffff, v0  }
.Ltmp6:
0x134: {  	_ = 	snop;
	(pc) =	sbr.rel .LBB2_6-.Ltmp6, $1  }
0x135: {  	_ =	sdelay $0x3  }
.LBB2_8:
0x136: {  	_ =	sfence.sel $0x180000  }
0x137: {  	[bflag:$0x0] =	sbarrier.arrive $0xFFFF  }
0x138: {  	_ =	strace $0x90000047  }
0x139: {  	[bflag:$0x2] =	sbarrier.arrive $0xFFFF  }
0x13a: {  	p0 =	sne.s32 s1, $0x0;
	s0 =	rddreg [dreg:$0x2]  }
0x13b: {  	s0 =	sadd.s32 @!p0 $0x100000, s0  }
0x13c: {  	[sflag:s0] =	ssyncadd.tile.s32 @!p0 $0x1;
	_ =	shalt  }
.Lfunc_end2:
_tile_overlayer_lowered:
.L_overlay_start_2:
0x13d: {  	(tag) =	ssettag $0x2  }
0x13e: {  	s0 =	rddreg [dreg:$0x0];
	s2 =	stileid.u32  }
0x13f: {  	s1 =	rddreg [dreg:$0x1];
	p0 =	sne.s32 s2, $0x0  }
0x140: {  	s3 =	rddreg [dreg:$0x2];
	[bflag:$0x3] =	sbarrier.arrive $0xFFFF;
	s2 =	simm.s32 @!p0 $0x1C01  }
0x141: {  	[timem:s3], [sflag:s2] =	dma.local @!p0 [hbm:s0], s1  }
0x142: {  	s0 =	simm.s32 @!p0 $0x1  }
0x143: {  	_ =	swait.ge @!p0 [sflag:s0], s1  }
0x144: {  	s1 =	ssub.s32 @!p0 $0x0, s1;
	[sflag:s0] =	ssyncset.done @!p0 $0x0  }
0x145: {  	[sflag:s0] =	ssyncadd.s32 @!p0 s1  }
0x146: {  	[bflag:$0x3] =	sbarrier.arrive $0xFFFF  }
0x147: {  	_ =	shalt  }

</sc_bundles>
